<compile_context>
chip_gen: v7x
topology: tpu7x:2x2x1
jax: 0.10.2.dev20260603
libtpu: 0.0.44.dev20260713+nightly
codegen_flags: <defaults>
</compile_context>

<pallas_src>
import functools

import jax
import jax.numpy as jnp
from jax import lax
from jax.experimental import pallas as pl
from jax.experimental.pallas import tpu as pltpu
from jax.experimental.pallas import tpu_sc as plsc

M = 1000000
B = 16384
D = 64
NC = 2
NS = 16
NW = NC * NS
RPW = M // NW
CR = 125
NCHUNK = RPW // CR
SCH = 128
BPW = B // NW


def _wid():
    return lax.axis_index("s") * NC + lax.axis_index("c")


@functools.cache
def _make_sc_gather():
    return pl.kernel(
        _sc_gather_body,
        out_type=jax.ShapeDtypeStruct((B, D), jnp.float32),
        mesh=plsc.VectorSubcoreMesh(core_axis_name="c", subcore_axis_name="s"),
        compiler_params=pltpu.CompilerParams(use_tc_tiling_on_sc=False, needs_layout_passes=False),
        scratch_types=[
            pltpu.VMEM((BPW,), jnp.int32),
            pltpu.VMEM((BPW, D), jnp.float32),
            pltpu.SemaphoreType.DMA,
        ],
    )


def _sc_gather_body(mem_hbm, ids_hbm, out_hbm, idx_v, rows_v, sem):
    wid = _wid()
    base = wid * BPW
    pltpu.sync_copy(ids_hbm.at[pl.ds(base, BPW)], idx_v)
    pltpu.async_copy(mem_hbm.at[idx_v], rows_v, sem).wait()
    pltpu.sync_copy(rows_v, out_hbm.at[pl.ds(base, BPW)])


def _gru_body(x_ref, h_ref, wih_ref, whh_ref, bih_ref, bhh_ref, o_ref):
    x = x_ref[...]
    h = h_ref[...]
    gi = jnp.dot(x, wih_ref[...], preferred_element_type=jnp.float32) + bih_ref[...]
    gh = jnp.dot(h, whh_ref[...], preferred_element_type=jnp.float32) + bhh_ref[...]
    r = jax.nn.sigmoid(gi[:, 0:D] + gh[:, 0:D])
    z = jax.nn.sigmoid(gi[:, D:2 * D] + gh[:, D:2 * D])
    n = jnp.tanh(gi[:, 2 * D:3 * D] + r * gh[:, 2 * D:3 * D])
    o_ref[...] = (1.0 - z) * n + z * h


_GRU_BLK = 1024
_gru = pl.pallas_call(
    _gru_body,
    out_shape=jax.ShapeDtypeStruct((B, D), jnp.float32),
    grid=(B // _GRU_BLK,),
    in_specs=[
        pl.BlockSpec((_GRU_BLK, D), lambda i: (i, 0)),
        pl.BlockSpec((_GRU_BLK, D), lambda i: (i, 0)),
        pl.BlockSpec((D, 3 * D), lambda i: (0, 0)),
        pl.BlockSpec((D, 3 * D), lambda i: (0, 0)),
        pl.BlockSpec((1, 3 * D), lambda i: (0, 0)),
        pl.BlockSpec((1, 3 * D), lambda i: (0, 0)),
    ],
    out_specs=pl.BlockSpec((_GRU_BLK, D), lambda i: (i, 0)),
)


@functools.cache
def _make_sc_copy_scatter():
    return pl.kernel(
        _sc_copy_scatter_body,
        out_type=jax.ShapeDtypeStruct((M, D), jnp.float32),
        mesh=plsc.VectorSubcoreMesh(core_axis_name="c", subcore_axis_name="s"),
        compiler_params=pltpu.CompilerParams(use_tc_tiling_on_sc=False, needs_layout_passes=False),
        scratch_types=[
            pltpu.VMEM((2048,), jnp.int32),
            pltpu.VMEM((B,), jnp.int32),
            pltpu.VMEM((B,), jnp.int32),
            pltpu.VMEM((RPW,), jnp.int32),
            pltpu.VMEM((CR, D), jnp.float32),
            pltpu.VMEM((CR, D), jnp.float32),
            pltpu.VMEM((SCH,), jnp.int32),
            pltpu.VMEM((SCH,), jnp.int32),
            pltpu.VMEM((SCH, D), jnp.float32),
            pltpu.SemaphoreType.DMA,
            pltpu.SemaphoreType.DMA,
            pltpu.SemaphoreType.DMA,
            pltpu.SemaphoreType.DMA,
            pltpu.SemaphoreType.DMA,
        ],
    )


def _sc_copy_scatter_body(mem_hbm, ids_hbm, newh_hbm, out_hbm,
                     ids_loc, my_ids, my_pos, table, bufA, bufB,
                     id_chunk, pos_chunk, rows_sc,
                     sem_ia, sem_oa, sem_ib, sem_ob, sem_g):
    wid = _wid()
    base = wid * RPW

    def wait_dma(src, dst, sem):
        pltpu.make_async_copy(src, dst, sem).wait()

    iota = lax.broadcasted_iota(jnp.int32, (16,), 0)

    def outer(cb, n):
        pltpu.sync_copy(ids_hbm.at[pl.ds(cb * 2048, 2048)], ids_loc)

        def inner(i, n):
            v = ids_loc[pl.ds(i * 16, 16)]
            posv = cb * 2048 + i * 16 + iota
            msk = (v >= base) & (v < base + RPW)
            off = n + plsc.cumsum(msk.astype(jnp.int32)) - 1
            plsc.store_scatter(my_ids, [off], v, mask=msk)
            plsc.store_scatter(my_pos, [off], posv, mask=msk)
            return n + jnp.sum(msk.astype(jnp.int32))

        return lax.fori_loop(0, 2048 // 16, inner, n)

    n = lax.fori_loop(0, B // 2048, outer, 0)

    nv = (n + 15) // 16

    def dd1(j, _):
        s = j * 16
        idv = my_ids[pl.ds(s, 16)] - base
        jv = s + iota
        valid = jv < n
        for l in range(16):
            plsc.store_scatter(table, [idv], jv, mask=valid & (iota == l))
        return 0

    lax.fori_loop(0, nv, dd1, 0)

    def dd2(j, mcur):
        s = j * 16
        idv = my_ids[pl.ds(s, 16)]
        pv = my_pos[pl.ds(s, 16)]
        jv = s + iota
        valid = jv < n
        tv = plsc.load_gather(table, [jnp.clip(idv - base, 0, RPW - 1)])
        keep = valid & (tv == jv)
        off = mcur + plsc.cumsum(keep.astype(jnp.int32)) - 1
        plsc.store_scatter(my_ids, [off], idv, mask=keep)
        plsc.store_scatter(my_pos, [off], pv, mask=keep)
        return mcur + jnp.sum(keep.astype(jnp.int32))

    m = lax.fori_loop(0, nv, dd2, 0)

    mpad = ((m + SCH - 1) // SCH) * SCH
    zeros16 = jnp.zeros((16,), jnp.int32)

    @pl.when(m > 0)
    def _():
        id0 = plsc.load_gather(my_ids, [zeros16])
        pos0 = plsc.load_gather(my_pos, [zeros16])

        def padb(j, _):
            s = j * 16
            lane = s + iota
            cur_i = my_ids[pl.ds(s, 16)]
            cur_p = my_pos[pl.ds(s, 16)]
            my_ids[pl.ds(s, 16)] = jnp.where(lane >= m, id0, cur_i)
            my_pos[pl.ds(s, 16)] = jnp.where(lane >= m, pos0, cur_p)
            return 0

        lax.fori_loop(m // 16, mpad // 16, padb, 0)

    pltpu.async_copy(mem_hbm.at[pl.ds(base, CR)], bufA, sem_ia)
    pltpu.async_copy(mem_hbm.at[pl.ds(base + CR, CR)], bufB, sem_ib)

    def cpb(t, _):
        cA = 2 * t
        cB = 2 * t + 1
        rA = base + cA * CR
        rB = base + cB * CR
        wait_dma(mem_hbm.at[pl.ds(rA, CR)], bufA, sem_ia)
        pltpu.async_copy(bufA, out_hbm.at[pl.ds(rA, CR)], sem_oa)
        wait_dma(mem_hbm.at[pl.ds(rB, CR)], bufB, sem_ib)
        pltpu.async_copy(bufB, out_hbm.at[pl.ds(rB, CR)], sem_ob)
        wait_dma(bufA, out_hbm.at[pl.ds(rA, CR)], sem_oa)
        pltpu.async_copy(mem_hbm.at[pl.ds(rA + 2 * CR, CR)], bufA, sem_ia)
        wait_dma(bufB, out_hbm.at[pl.ds(rB, CR)], sem_ob)
        pltpu.async_copy(mem_hbm.at[pl.ds(rB + 2 * CR, CR)], bufB, sem_ib)
        return 0

    lax.fori_loop(0, NCHUNK // 2 - 1, cpb, 0)
    cA = NCHUNK - 2
    cB = NCHUNK - 1
    rA = base + cA * CR
    rB = base + cB * CR
    wait_dma(mem_hbm.at[pl.ds(rA, CR)], bufA, sem_ia)
    pltpu.async_copy(bufA, out_hbm.at[pl.ds(rA, CR)], sem_oa)
    wait_dma(mem_hbm.at[pl.ds(rB, CR)], bufB, sem_ib)
    pltpu.async_copy(bufB, out_hbm.at[pl.ds(rB, CR)], sem_ob)
    wait_dma(bufA, out_hbm.at[pl.ds(rA, CR)], sem_oa)
    wait_dma(bufB, out_hbm.at[pl.ds(rB, CR)], sem_ob)

    nsc = (m + SCH - 1) // SCH

    def scb(k, _):
        s = k * SCH
        for l in range(SCH // 16):
            id_chunk[pl.ds(l * 16, 16)] = my_ids[pl.ds(s + l * 16, 16)]
            pos_chunk[pl.ds(l * 16, 16)] = my_pos[pl.ds(s + l * 16, 16)]
        pltpu.async_copy(newh_hbm.at[pos_chunk], rows_sc, sem_g).wait()
        pltpu.async_copy(rows_sc, out_hbm.at[id_chunk], sem_g).wait()
        return 0

    lax.fori_loop(0, nsc, scb, 0)


def kernel(speaker_memory, speaker_ids, edu_reps, W_ih, W_hh, b_ih, b_hh):
    ids32 = speaker_ids.astype(jnp.int32)
    h = _make_sc_gather()(speaker_memory, ids32)
    new_h = _gru(edu_reps, h, W_ih.T, W_hh.T,
                 b_ih.reshape(1, 3 * D), b_hh.reshape(1, 3 * D))
    return _make_sc_copy_scatter()(speaker_memory, ids32, new_h)

# --- scband reference (transcript-rebuilt; emitter-appended) ---
"""Pipeline reference for scband-speaker-memory-57028575756935 (READ-ONLY COPY).

The authoritative reference and input builder live on the scoring server;
editing this copy changes nothing except your own understanding.
"""

import jax, jax.numpy as jnp
import numpy as np

M = 1000000
B = 16384
D = 64

def setup_inputs(seed: int = 0) -> dict:
    key = jax.random.key(seed)
    k1, k2, k3, k4, k5, k6, k7 = jax.random.split(key, 7)
    speaker_memory = jax.random.normal(k1, (M, D), dtype=jnp.float32)
    speaker_ids = jax.random.randint(k2, (B,), 0, M, dtype=jnp.int64)
    edu_reps = jax.random.normal(k3, (B, D), dtype=jnp.float32)
    s = 1.0 / np.sqrt(D)
    W_ih = jax.random.uniform(k4, (3 * D, D), dtype=jnp.float32, minval=-s, maxval=s)
    W_hh = jax.random.uniform(k5, (3 * D, D), dtype=jnp.float32, minval=-s, maxval=s)
    b_ih = jax.random.uniform(k6, (3 * D,), dtype=jnp.float32, minval=-s, maxval=s)
    b_hh = jax.random.uniform(k7, (3 * D,), dtype=jnp.float32, minval=-s, maxval=s)
    return {"speaker_memory": speaker_memory, "speaker_ids": speaker_ids, "edu_reps": edu_reps,
            "W_ih": W_ih, "W_hh": W_hh, "b_ih": b_ih, "b_hh": b_hh}

def _gru_cell(x, h, W_ih, W_hh, b_ih, b_hh):
    gi = x @ W_ih.T + b_ih
    gh = h @ W_hh.T + b_hh
    i_r, i_z, i_n = jnp.split(gi, 3, axis=-1)
    h_r, h_z, h_n = jnp.split(gh, 3, axis=-1)
    r = jax.nn.sigmoid(i_r + h_r)
    z = jax.nn.sigmoid(i_z + h_z)
    n = jnp.tanh(i_n + r * h_n)
    return (1.0 - z) * n + z * h

def reference(speaker_memory, speaker_ids, edu_reps, W_ih, W_hh, b_ih, b_hh):
    # Each update reads the ORIGINAL speaker_memory row (as in the torch loop),
    # then overwrites updated_memory[sid]; last write wins on duplicates.
    h = jnp.take(speaker_memory, speaker_ids, axis=0)
    new_h = _gru_cell(edu_reps, h, W_ih, W_hh, b_ih, b_hh)
    updated_memory = speaker_memory.at[speaker_ids].set(new_h)
    return updated_memory

if __name__ == "__main__":
    import jax
    _d = setup_inputs()
    print(jax.jit(kernel)(*tuple(_d.values())))

</pallas_src>

<mosaic_0001>
#map = affine_map<(d0, d1) -> (0, 0)>
#map1 = affine_map<(d0, d1) -> (0)>
module attributes {stable_mosaic.version = 14 : i64} {
  func.func @_sc_gather_body(%arg0: i32, %arg1: i32, %arg2: memref<1000000x64xf32, #tpu.memory_space<hbm>>, %arg3: memref<16384xi32, #tpu.memory_space<hbm>>, %arg4: memref<16384x64xf32, #tpu.memory_space<hbm>>, %arg5: memref<512xi32, #tpu.memory_space<vmem>>, %arg6: memref<512x64xf32, #tpu.memory_space<vmem>>, %arg7: memref<!tpu.dma_semaphore, #tpu.memory_space<semaphore_mem>>) attributes {dimension_semantics = [#tpu.dimension_semantics<core_parallel>, #tpu.dimension_semantics<subcore_parallel>], iteration_bounds = array<i64: 2, 16>, scalar_prefetch = 0 : i64, scratch_operands = 3 : i64, tpu.core_type = #tpu.core_type<sc_vector_subcore>, window_params = [{transform_indices = #map}, {transform_indices = #map1}, {transform_indices = #map}]} {
    %mul3A = arith.constant 2 : i32
    %mul3A_0 = arith.muli %arg1, %mul3A : i32
    %add3A = arith.addi %mul3A_0, %arg0 : i32
    %mul3A_1 = arith.constant 512 : i32
    %mul3A_2 = arith.muli %add3A, %mul3A_1 : i32
    "tpu.region"() ({
      %run_scoped3A = tpu.sem_alloc : memref<!tpu.dma_semaphore, #tpu.memory_space<semaphore_mem>>
      %dma_start3A_7 = tpu.memref_slice %arg3[%mul3A_2] : memref<16384xi32, #tpu.memory_space<hbm>> -> memref<512xi32, #tpu.memory_space<hbm>>
      %dma_start3A_8 = tpu.memref_slice %arg3[%mul3A_2] : memref<16384xi32, #tpu.memory_space<hbm>> -> memref<512xi32, #tpu.memory_space<hbm>>
      tpu.enqueue_dma source(%dma_start3A_8 : memref<512xi32, #tpu.memory_space<hbm>>) target(%arg5 : memref<512xi32, #tpu.memory_space<vmem>>) target_semaphore(%run_scoped3A : memref<!tpu.dma_semaphore, #tpu.memory_space<semaphore_mem>>)
      %dma_wait3A_9 = tpu.memref_slice %arg3[%mul3A_2] : memref<16384xi32, #tpu.memory_space<hbm>> -> memref<512xi32, #tpu.memory_space<hbm>>
      %dma_wait3A_10 = tpu.memref_slice %arg3[%mul3A_2] : memref<16384xi32, #tpu.memory_space<hbm>> -> memref<512xi32, #tpu.memory_space<hbm>>
      tpu.wait_dma2 semaphore(%run_scoped3A : memref<!tpu.dma_semaphore, #tpu.memory_space<semaphore_mem>>) src(%dma_wait3A_10 : memref<512xi32, #tpu.memory_space<hbm>>) dst(%arg5 : memref<512xi32, #tpu.memory_space<vmem>>)
      tpu.yield
    }) : () -> ()
    %dma_start3A = arith.constant 0 : i32
    %dma_start3A_3 = arith.constant 0 : i32
    %dma_start3A_4 = tpu.memref_slice %arg2[%dma_start3A, %dma_start3A_3] : memref<1000000x64xf32, #tpu.memory_space<hbm>> -> memref<1000000x64xf32, #tpu.memory_space<hbm>>
    tpu.enqueue_indirect_dma source(%dma_start3A_4 : memref<1000000x64xf32, #tpu.memory_space<hbm>>) target(%arg6 : memref<512x64xf32, #tpu.memory_space<vmem>>) offsets(%arg5 : memref<512xi32, #tpu.memory_space<vmem>>) semaphore(%arg7 : memref<!tpu.dma_semaphore, #tpu.memory_space<semaphore_mem>>)
    %dma_wait3A = arith.constant 0 : i32
    %dma_wait3A_5 = arith.constant 0 : i32
    %dma_wait3A_6 = tpu.memref_slice %arg2[%dma_wait3A, %dma_wait3A_5] : memref<1000000x64xf32, #tpu.memory_space<hbm>> -> memref<1000000x64xf32, #tpu.memory_space<hbm>>
    tpu.wait_indirect_dma semaphore(%arg7 : memref<!tpu.dma_semaphore, #tpu.memory_space<semaphore_mem>>) src(%dma_wait3A_6 : memref<1000000x64xf32, #tpu.memory_space<hbm>>) dst(%arg6 : memref<512x64xf32, #tpu.memory_space<vmem>>)
    "tpu.region"() ({
      %run_scoped3A = tpu.sem_alloc : memref<!tpu.dma_semaphore, #tpu.memory_space<semaphore_mem>>
      %dma_start3A_7 = arith.constant 0 : i32
      %dma_start3A_8 = tpu.memref_slice %arg4[%mul3A_2, %dma_start3A_7] : memref<16384x64xf32, #tpu.memory_space<hbm>> -> memref<512x64xf32, #tpu.memory_space<hbm>>
      %dma_start3A_9 = arith.constant 0 : i32
      %dma_start3A_10 = tpu.memref_slice %arg4[%mul3A_2, %dma_start3A_9] : memref<16384x64xf32, #tpu.memory_space<hbm>> -> memref<512x64xf32, #tpu.memory_space<hbm>>
      tpu.enqueue_dma source(%arg6 : memref<512x64xf32, #tpu.memory_space<vmem>>) target(%dma_start3A_10 : memref<512x64xf32, #tpu.memory_space<hbm>>) target_semaphore(%run_scoped3A : memref<!tpu.dma_semaphore, #tpu.memory_space<semaphore_mem>>)
      %dma_wait3A_11 = arith.constant 0 : i32
      %dma_wait3A_12 = tpu.memref_slice %arg4[%mul3A_2, %dma_wait3A_11] : memref<16384x64xf32, #tpu.memory_space<hbm>> -> memref<512x64xf32, #tpu.memory_space<hbm>>
      %dma_wait3A_13 = arith.constant 0 : i32
      %dma_wait3A_14 = tpu.memref_slice %arg4[%mul3A_2, %dma_wait3A_13] : memref<16384x64xf32, #tpu.memory_space<hbm>> -> memref<512x64xf32, #tpu.memory_space<hbm>>
      tpu.wait_dma2 semaphore(%run_scoped3A : memref<!tpu.dma_semaphore, #tpu.memory_space<semaphore_mem>>) src(%arg6 : memref<512x64xf32, #tpu.memory_space<vmem>>) dst(%dma_wait3A_14 : memref<512x64xf32, #tpu.memory_space<hbm>>)
      tpu.yield
    }) : () -> ()
    return
  }
}

#map = affine_map<(d0, d1) -> (0, 0)>
#map1 = affine_map<(d0, d1) -> (0)>
module attributes {stable_mosaic.version = 14 : i64} {
  func.func @_sc_copy_scatter_body(%arg0: i32, %arg1: i32, %arg2: memref<1000000x64xf32, #tpu.memory_space<hbm>>, %arg3: memref<16384xi32, #tpu.memory_space<hbm>>, %arg4: memref<16384x64xf32, #tpu.memory_space<hbm>>, %arg5: memref<1000000x64xf32, #tpu.memory_space<hbm>>, %arg6: memref<2048xi32, #tpu.memory_space<vmem>>, %arg7: memref<16384xi32, #tpu.memory_space<vmem>>, %arg8: memref<16384xi32, #tpu.memory_space<vmem>>, %arg9: memref<31250xi32, #tpu.memory_space<vmem>>, %arg10: memref<125x64xf32, #tpu.memory_space<vmem>>, %arg11: memref<125x64xf32, #tpu.memory_space<vmem>>, %arg12: memref<128xi32, #tpu.memory_space<vmem>>, %arg13: memref<128xi32, #tpu.memory_space<vmem>>, %arg14: memref<128x64xf32, #tpu.memory_space<vmem>>, %arg15: memref<!tpu.dma_semaphore, #tpu.memory_space<semaphore_mem>>, %arg16: memref<!tpu.dma_semaphore, #tpu.memory_space<semaphore_mem>>, %arg17: memref<!tpu.dma_semaphore, #tpu.memory_space<semaphore_mem>>, %arg18: memref<!tpu.dma_semaphore, #tpu.memory_space<semaphore_mem>>, %arg19: memref<!tpu.dma_semaphore, #tpu.memory_space<semaphore_mem>>) attributes {dimension_semantics = [#tpu.dimension_semantics<core_parallel>, #tpu.dimension_semantics<subcore_parallel>], iteration_bounds = array<i64: 2, 16>, scalar_prefetch = 0 : i64, scratch_operands = 14 : i64, tpu.core_type = #tpu.core_type<sc_vector_subcore>, window_params = [{transform_indices = #map}, {transform_indices = #map1}, {transform_indices = #map}, {transform_indices = #map}]} {
    %mul3A = arith.constant 2 : i32
    %mul3A_0 = arith.muli %arg1, %mul3A : i32
    %add3A = arith.addi %mul3A_0, %arg0 : i32
    %mul3A_1 = arith.constant 31250 : i32
    %mul3A_2 = arith.muli %add3A, %mul3A_1 : i32
    %iota3A = tpu.iota {dimensions = array<i32: 0>} : vector<16xi32>
    %scan3A = arith.constant 0 : i32
    %scan3A_3 = arith.constant 0 : i32
    %scan3A_4 = arith.constant 8 : i32
    %scan3A_5 = arith.addi %scan3A_3, %scan3A_4 : i32
    %scan3A_6 = arith.constant 1 : i32
    %scan3A_7 = scf.for %scan3A_166 = %scan3A_3 to %scan3A_5 step %scan3A_6 iter_args(%scan3A_167 = %scan3A) -> (i32)  : i32 {
      %mul3A_168 = arith.constant 2048 : i32
      %mul3A_169 = arith.muli %scan3A_166, %mul3A_168 : i32
      "tpu.region"() ({
        %run_scoped3A = tpu.sem_alloc : memref<!tpu.dma_semaphore, #tpu.memory_space<semaphore_mem>>
        %dma_start3A_176 = tpu.memref_slice %arg3[%mul3A_169] : memref<16384xi32, #tpu.memory_space<hbm>> -> memref<2048xi32, #tpu.memory_space<hbm>>
        %dma_start3A_177 = tpu.memref_slice %arg3[%mul3A_169] : memref<16384xi32, #tpu.memory_space<hbm>> -> memref<2048xi32, #tpu.memory_space<hbm>>
        tpu.enqueue_dma source(%dma_start3A_177 : memref<2048xi32, #tpu.memory_space<hbm>>) target(%arg6 : memref<2048xi32, #tpu.memory_space<vmem>>) target_semaphore(%run_scoped3A : memref<!tpu.dma_semaphore, #tpu.memory_space<semaphore_mem>>)
        %dma_wait3A_178 = tpu.memref_slice %arg3[%mul3A_169] : memref<16384xi32, #tpu.memory_space<hbm>> -> memref<2048xi32, #tpu.memory_space<hbm>>
        %dma_wait3A_179 = tpu.memref_slice %arg3[%mul3A_169] : memref<16384xi32, #tpu.memory_space<hbm>> -> memref<2048xi32, #tpu.memory_space<hbm>>
        tpu.wait_dma2 semaphore(%run_scoped3A : memref<!tpu.dma_semaphore, #tpu.memory_space<semaphore_mem>>) src(%dma_wait3A_179 : memref<2048xi32, #tpu.memory_space<hbm>>) dst(%arg6 : memref<2048xi32, #tpu.memory_space<vmem>>)
        tpu.yield
      }) : () -> ()
      %scan3A_170 = arith.constant 0 : i32
      %scan3A_171 = arith.constant 128 : i32
      %scan3A_172 = arith.addi %scan3A_170, %scan3A_171 : i32
      %scan3A_173 = arith.constant 1 : i32
      %scan3A_174 = scf.for %scan3A_176 = %scan3A_170 to %scan3A_172 step %scan3A_173 iter_args(%scan3A_177 = %scan3A_167) -> (i32)  : i32 {
        %mul3A_178 = arith.constant 16 : i32
        %mul3A_179 = arith.muli %scan3A_176, %mul3A_178 : i32
        %get3A = arith.index_cast %mul3A_179 : i32 to index
        %get3A_180 = tpu.vector_load %arg6[%get3A] {strides = array<i32>} : memref<2048xi32, #tpu.memory_space<vmem>>, vector<16xi32>,
        %mul3A_181 = arith.constant 2048 : i32
        %mul3A_182 = arith.muli %scan3A_166, %mul3A_181 : i32
        %mul3A_183 = arith.constant 16 : i32
        %mul3A_184 = arith.muli %scan3A_176, %mul3A_183 : i32
        %add3A_185 = arith.addi %mul3A_182, %mul3A_184 : i32
        %add3A_186 = vector.broadcast %add3A_185 : i32 to vector<16xi32>
        %add3A_187 = arith.addi %add3A_186, %iota3A : vector<16xi32>
        %ge3A = vector.broadcast %mul3A_2 : i32 to vector<16xi32>
        %ge3A_188 = arith.cmpi sge, %get3A_180, %ge3A : vector<16xi32>
        %add3A_189 = arith.constant 31250 : i32
        %add3A_190 = arith.addi %mul3A_2, %add3A_189 : i32
        %lt3A = vector.broadcast %add3A_190 : i32 to vector<16xi32>
        %lt3A_191 = arith.cmpi slt, %get3A_180, %lt3A : vector<16xi32>
        %and3A_192 = arith.andi %ge3A_188, %lt3A_191 : vector<16xi1>
        %convert_element_type3A_193 = arith.extui %and3A_192 : vector<16xi1> to vector<16xi32>
        %broadcast_in_dim3A_194 = arith.constant true
        %broadcast_in_dim3A_195 = vector.broadcast %broadcast_in_dim3A_194 : i1 to vector<16xi1>
        %masked_cumsum3A = tpu.scan <sum>, %convert_element_type3A_193 masked %broadcast_in_dim3A_195 : vector<16xi32>, vector<16xi1> -> vector<16xi32>
        %add3A_196 = vector.broadcast %scan3A_177 : i32 to vector<16xi32>
        %add3A_197 = arith.addi %add3A_196, %masked_cumsum3A : vector<16xi32>
        %sub3A_198 = arith.constant 1 : i32
        %sub3A_199 = vector.broadcast %sub3A_198 : i32 to vector<16xi32>
        %sub3A_200 = arith.subi %add3A_197, %sub3A_199 : vector<16xi32>
        tpu.vector_store_idx %arg7[%sub3A_200], %get3A_180 masked %and3A_192 : memref<16384xi32, #tpu.memory_space<vmem>>[vector<16xi32>], vector<16xi32>, vector<16xi1>
        tpu.vector_store_idx %arg8[%sub3A_200], %add3A_187 masked %and3A_192 : memref<16384xi32, #tpu.memory_space<vmem>>[vector<16xi32>], vector<16xi32>, vector<16xi1>
        %convert_element_type3A_201 = arith.extui %and3A_192 : vector<16xi1> to vector<16xi32>
        %reduce_sum3A = arith.constant true
        %reduce_sum3A_202 = vector.broadcast %reduce_sum3A : i1 to vector<16xi1>
        %reduce_sum3A_203 = tpu.scan <sum>, %convert_element_type3A_201 masked %reduce_sum3A_202 : vector<16xi32>, vector<16xi1> -> vector<16xi32>
        %reduce_sum3A_204 = vector.extract %reduce_sum3A_203[15] : i32 from vector<16xi32>
        %add3A_205 = arith.addi %scan3A_177, %reduce_sum3A_204 : i32
        scf.yield %add3A_205 : i32
      }
      %scan3A_175 = arith.constant 128 : i32
      scf.yield %scan3A_174 : i32
    }
    %scan3A_8 = arith.constant 8 : i32
    %add3A_9 = arith.constant 15 : i32
    %add3A_10 = arith.addi %scan3A_7, %add3A_9 : i32
    %jit3A = arith.constant 16 : i32
    %div3A = arith.divsi %add3A_10, %jit3A : i32
    %sign3A = arith.constant 0 : i32
    %sign3A_11 = arith.cmpi sgt, %add3A_10, %sign3A : i32
    %sign3A_12 = arith.extui %sign3A_11 : i1 to i32
    %sign3A_13 = arith.constant 0 : i32
    %sign3A_14 = arith.cmpi slt, %add3A_10, %sign3A_13 : i32
    %sign3A_15 = arith.extui %sign3A_14 : i1 to i32
    %sign3A_16 = arith.subi %sign3A_12, %sign3A_15 : i32
    %sign3A_17 = arith.constant 0 : i32
    %sign3A_18 = arith.cmpi sgt, %jit3A, %sign3A_17 : i32
    %sign3A_19 = arith.extui %sign3A_18 : i1 to i32
    %sign3A_20 = arith.constant 0 : i32
    %sign3A_21 = arith.cmpi slt, %jit3A, %sign3A_20 : i32
    %sign3A_22 = arith.extui %sign3A_21 : i1 to i32
    %sign3A_23 = arith.subi %sign3A_19, %sign3A_22 : i32
    %ne3A = arith.cmpi ne, %sign3A_16, %sign3A_23 : i32
    %rem3A = arith.remsi %add3A_10, %jit3A : i32
    %ne3A_24 = arith.constant 0 : i32
    %ne3A_25 = arith.cmpi ne, %rem3A, %ne3A_24 : i32
    %and3A = arith.andi %ne3A, %ne3A_25 : i1
    %sub3A = arith.constant 1 : i32
    %sub3A_26 = arith.subi %div3A, %sub3A : i32
    %select_n3A = arith.select %and3A, %sub3A_26, %div3A : i32
    %while3A = arith.constant 0 : i32
    %while3A_27 = arith.constant 0 : i32
    %while3A_28 = arith.subi %select_n3A, %while3A : i32
    %while3A_29 = arith.addi %while3A, %while3A_28 : i32
    %while3A_30 = arith.constant 1 : i32
    %while3A_31 = arith.divsi %while3A_28, %while3A_30 : i32
    %while3A_32 = arith.muli %while3A_31, %while3A_30 : i32
    %while3A_33 = arith.addi %while3A, %while3A_32 : i32
    %while3A_34 = arith.constant 1 : i32
    %while3A_35 = scf.for %while3A_166 = %while3A to %while3A_33 step %while3A_34 iter_args(%while3A_167 = %while3A_27) -> (i32)  : i32 {
      %mul3A_168 = arith.constant 16 : i32
      %mul3A_169 = arith.muli %while3A_166, %mul3A_168 : i32
      %get3A = arith.index_cast %mul3A_169 : i32 to index
      %get3A_170 = tpu.vector_load %arg7[%get3A] {strides = array<i32>} : memref<16384xi32, #tpu.memory_space<vmem>>, vector<16xi32>,
      %sub3A_171 = vector.broadcast %mul3A_2 : i32 to vector<16xi32>
      %sub3A_172 = arith.subi %get3A_170, %sub3A_171 : vector<16xi32>
      %add3A_173 = vector.broadcast %mul3A_169 : i32 to vector<16xi32>
      %add3A_174 = arith.addi %add3A_173, %iota3A : vector<16xi32>
      %lt3A = vector.broadcast %scan3A_7 : i32 to vector<16xi32>
      %lt3A_175 = arith.cmpi slt, %add3A_174, %lt3A : vector<16xi32>
      %eq3A = arith.constant 0 : i32
      %eq3A_176 = vector.broadcast %eq3A : i32 to vector<16xi32>
      %eq3A_177 = arith.cmpi eq, %iota3A, %eq3A_176 : vector<16xi32>
      %and3A_178 = arith.andi %lt3A_175, %eq3A_177 : vector<16xi1>
      tpu.vector_store_idx %arg9[%sub3A_172], %add3A_174 masked %and3A_178 : memref<31250xi32, #tpu.memory_space<vmem>>[vector<16xi32>], vector<16xi32>, vector<16xi1>
      %eq3A_179 = arith.constant 1 : i32
      %eq3A_180 = vector.broadcast %eq3A_179 : i32 to vector<16xi32>
      %eq3A_181 = arith.cmpi eq, %iota3A, %eq3A_180 : vector<16xi32>
      %and3A_182 = arith.andi %lt3A_175, %eq3A_181 : vector<16xi1>
      tpu.vector_store_idx %arg9[%sub3A_172], %add3A_174 masked %and3A_182 : memref<31250xi32, #tpu.memory_space<vmem>>[vector<16xi32>], vector<16xi32>, vector<16xi1>
      %eq3A_183 = arith.constant 2 : i32
      %eq3A_184 = vector.broadcast %eq3A_183 : i32 to vector<16xi32>
      %eq3A_185 = arith.cmpi eq, %iota3A, %eq3A_184 : vector<16xi32>
      %and3A_186 = arith.andi %lt3A_175, %eq3A_185 : vector<16xi1>
      tpu.vector_store_idx %arg9[%sub3A_172], %add3A_174 masked %and3A_186 : memref<31250xi32, #tpu.memory_space<vmem>>[vector<16xi32>], vector<16xi32>, vector<16xi1>
      %eq3A_187 = arith.constant 3 : i32
      %eq3A_188 = vector.broadcast %eq3A_187 : i32 to vector<16xi32>
      %eq3A_189 = arith.cmpi eq, %iota3A, %eq3A_188 : vector<16xi32>
      %and3A_190 = arith.andi %lt3A_175, %eq3A_189 : vector<16xi1>
      tpu.vector_store_idx %arg9[%sub3A_172], %add3A_174 masked %and3A_190 : memref<31250xi32, #tpu.memory_space<vmem>>[vector<16xi32>], vector<16xi32>, vector<16xi1>
      %eq3A_191 = arith.constant 4 : i32
      %eq3A_192 = vector.broadcast %eq3A_191 : i32 to vector<16xi32>
      %eq3A_193 = arith.cmpi eq, %iota3A, %eq3A_192 : vector<16xi32>
      %and3A_194 = arith.andi %lt3A_175, %eq3A_193 : vector<16xi1>
      tpu.vector_store_idx %arg9[%sub3A_172], %add3A_174 masked %and3A_194 : memref<31250xi32, #tpu.memory_space<vmem>>[vector<16xi32>], vector<16xi32>, vector<16xi1>
      %eq3A_195 = arith.constant 5 : i32
      %eq3A_196 = vector.broadcast %eq3A_195 : i32 to vector<16xi32>
      %eq3A_197 = arith.cmpi eq, %iota3A, %eq3A_196 : vector<16xi32>
      %and3A_198 = arith.andi %lt3A_175, %eq3A_197 : vector<16xi1>
      tpu.vector_store_idx %arg9[%sub3A_172], %add3A_174 masked %and3A_198 : memref<31250xi32, #tpu.memory_space<vmem>>[vector<16xi32>], vector<16xi32>, vector<16xi1>
      %eq3A_199 = arith.constant 6 : i32
      %eq3A_200 = vector.broadcast %eq3A_199 : i32 to vector<16xi32>
      %eq3A_201 = arith.cmpi eq, %iota3A, %eq3A_200 : vector<16xi32>
      %and3A_202 = arith.andi %lt3A_175, %eq3A_201 : vector<16xi1>
      tpu.vector_store_idx %arg9[%sub3A_172], %add3A_174 masked %and3A_202 : memref<31250xi32, #tpu.memory_space<vmem>>[vector<16xi32>], vector<16xi32>, vector<16xi1>
      %eq3A_203 = arith.constant 7 : i32
      %eq3A_204 = vector.broadcast %eq3A_203 : i32 to vector<16xi32>
      %eq3A_205 = arith.cmpi eq, %iota3A, %eq3A_204 : vector<16xi32>
      %and3A_206 = arith.andi %lt3A_175, %eq3A_205 : vector<16xi1>
      tpu.vector_store_idx %arg9[%sub3A_172], %add3A_174 masked %and3A_206 : memref<31250xi32, #tpu.memory_space<vmem>>[vector<16xi32>], vector<16xi32>, vector<16xi1>
      %eq3A_207 = arith.constant 8 : i32
      %eq3A_208 = vector.broadcast %eq3A_207 : i32 to vector<16xi32>
      %eq3A_209 = arith.cmpi eq, %iota3A, %eq3A_208 : vector<16xi32>
      %and3A_210 = arith.andi %lt3A_175, %eq3A_209 : vector<16xi1>
      tpu.vector_store_idx %arg9[%sub3A_172], %add3A_174 masked %and3A_210 : memref<31250xi32, #tpu.memory_space<vmem>>[vector<16xi32>], vector<16xi32>, vector<16xi1>
      %eq3A_211 = arith.constant 9 : i32
      %eq3A_212 = vector.broadcast %eq3A_211 : i32 to vector<16xi32>
      %eq3A_213 = arith.cmpi eq, %iota3A, %eq3A_212 : vector<16xi32>
      %and3A_214 = arith.andi %lt3A_175, %eq3A_213 : vector<16xi1>
      tpu.vector_store_idx %arg9[%sub3A_172], %add3A_174 masked %and3A_214 : memref<31250xi32, #tpu.memory_space<vmem>>[vector<16xi32>], vector<16xi32>, vector<16xi1>
      %eq3A_215 = arith.constant 10 : i32
      %eq3A_216 = vector.broadcast %eq3A_215 : i32 to vector<16xi32>
      %eq3A_217 = arith.cmpi eq, %iota3A, %eq3A_216 : vector<16xi32>
      %and3A_218 = arith.andi %lt3A_175, %eq3A_217 : vector<16xi1>
      tpu.vector_store_idx %arg9[%sub3A_172], %add3A_174 masked %and3A_218 : memref<31250xi32, #tpu.memory_space<vmem>>[vector<16xi32>], vector<16xi32>, vector<16xi1>
      %eq3A_219 = arith.constant 11 : i32
      %eq3A_220 = vector.broadcast %eq3A_219 : i32 to vector<16xi32>
      %eq3A_221 = arith.cmpi eq, %iota3A, %eq3A_220 : vector<16xi32>
      %and3A_222 = arith.andi %lt3A_175, %eq3A_221 : vector<16xi1>
      tpu.vector_store_idx %arg9[%sub3A_172], %add3A_174 masked %and3A_222 : memref<31250xi32, #tpu.memory_space<vmem>>[vector<16xi32>], vector<16xi32>, vector<16xi1>
      %eq3A_223 = arith.constant 12 : i32
      %eq3A_224 = vector.broadcast %eq3A_223 : i32 to vector<16xi32>
      %eq3A_225 = arith.cmpi eq, %iota3A, %eq3A_224 : vector<16xi32>
      %and3A_226 = arith.andi %lt3A_175, %eq3A_225 : vector<16xi1>
      tpu.vector_store_idx %arg9[%sub3A_172], %add3A_174 masked %and3A_226 : memref<31250xi32, #tpu.memory_space<vmem>>[vector<16xi32>], vector<16xi32>, vector<16xi1>
      %eq3A_227 = arith.constant 13 : i32
      %eq3A_228 = vector.broadcast %eq3A_227 : i32 to vector<16xi32>
      %eq3A_229 = arith.cmpi eq, %iota3A, %eq3A_228 : vector<16xi32>
      %and3A_230 = arith.andi %lt3A_175, %eq3A_229 : vector<16xi1>
      tpu.vector_store_idx %arg9[%sub3A_172], %add3A_174 masked %and3A_230 : memref<31250xi32, #tpu.memory_space<vmem>>[vector<16xi32>], vector<16xi32>, vector<16xi1>
      %eq3A_231 = arith.constant 14 : i32
      %eq3A_232 = vector.broadcast %eq3A_231 : i32 to vector<16xi32>
      %eq3A_233 = arith.cmpi eq, %iota3A, %eq3A_232 : vector<16xi32>
      %and3A_234 = arith.andi %lt3A_175, %eq3A_233 : vector<16xi1>
      tpu.vector_store_idx %arg9[%sub3A_172], %add3A_174 masked %and3A_234 : memref<31250xi32, #tpu.memory_space<vmem>>[vector<16xi32>], vector<16xi32>, vector<16xi1>
      %eq3A_235 = arith.constant 15 : i32
      %eq3A_236 = vector.broadcast %eq3A_235 : i32 to vector<16xi32>
      %eq3A_237 = arith.cmpi eq, %iota3A, %eq3A_236 : vector<16xi32>
      %and3A_238 = arith.andi %lt3A_175, %eq3A_237 : vector<16xi1>
      tpu.vector_store_idx %arg9[%sub3A_172], %add3A_174 masked %and3A_238 : memref<31250xi32, #tpu.memory_space<vmem>>[vector<16xi32>], vector<16xi32>, vector<16xi1>
      %while3A_239 = arith.constant 0 : i32
      scf.yield %while3A_239 : i32
    }
    %while3A_36 = arith.constant 1 : i32
    %while3A_37 = scf.for %while3A_166 = %while3A_33 to %while3A_29 step %while3A_36 iter_args(%while3A_167 = %while3A_35) -> (i32)  : i32 {
      %mul3A_168 = arith.constant 16 : i32
      %mul3A_169 = arith.muli %while3A_166, %mul3A_168 : i32
      %get3A = arith.index_cast %mul3A_169 : i32 to index
      %get3A_170 = tpu.vector_load %arg7[%get3A] {strides = array<i32>} : memref<16384xi32, #tpu.memory_space<vmem>>, vector<16xi32>,
      %sub3A_171 = vector.broadcast %mul3A_2 : i32 to vector<16xi32>
      %sub3A_172 = arith.subi %get3A_170, %sub3A_171 : vector<16xi32>
      %add3A_173 = vector.broadcast %mul3A_169 : i32 to vector<16xi32>
      %add3A_174 = arith.addi %add3A_173, %iota3A : vector<16xi32>
      %lt3A = vector.broadcast %scan3A_7 : i32 to vector<16xi32>
      %lt3A_175 = arith.cmpi slt, %add3A_174, %lt3A : vector<16xi32>
      %eq3A = arith.constant 0 : i32
      %eq3A_176 = vector.broadcast %eq3A : i32 to vector<16xi32>
      %eq3A_177 = arith.cmpi eq, %iota3A, %eq3A_176 : vector<16xi32>
      %and3A_178 = arith.andi %lt3A_175, %eq3A_177 : vector<16xi1>
      tpu.vector_store_idx %arg9[%sub3A_172], %add3A_174 masked %and3A_178 : memref<31250xi32, #tpu.memory_space<vmem>>[vector<16xi32>], vector<16xi32>, vector<16xi1>
      %eq3A_179 = arith.constant 1 : i32
      %eq3A_180 = vector.broadcast %eq3A_179 : i32 to vector<16xi32>
      %eq3A_181 = arith.cmpi eq, %iota3A, %eq3A_180 : vector<16xi32>
      %and3A_182 = arith.andi %lt3A_175, %eq3A_181 : vector<16xi1>
      tpu.vector_store_idx %arg9[%sub3A_172], %add3A_174 masked %and3A_182 : memref<31250xi32, #tpu.memory_space<vmem>>[vector<16xi32>], vector<16xi32>, vector<16xi1>
      %eq3A_183 = arith.constant 2 : i32
      %eq3A_184 = vector.broadcast %eq3A_183 : i32 to vector<16xi32>
      %eq3A_185 = arith.cmpi eq, %iota3A, %eq3A_184 : vector<16xi32>
      %and3A_186 = arith.andi %lt3A_175, %eq3A_185 : vector<16xi1>
      tpu.vector_store_idx %arg9[%sub3A_172], %add3A_174 masked %and3A_186 : memref<31250xi32, #tpu.memory_space<vmem>>[vector<16xi32>], vector<16xi32>, vector<16xi1>
      %eq3A_187 = arith.constant 3 : i32
      %eq3A_188 = vector.broadcast %eq3A_187 : i32 to vector<16xi32>
      %eq3A_189 = arith.cmpi eq, %iota3A, %eq3A_188 : vector<16xi32>
      %and3A_190 = arith.andi %lt3A_175, %eq3A_189 : vector<16xi1>
      tpu.vector_store_idx %arg9[%sub3A_172], %add3A_174 masked %and3A_190 : memref<31250xi32, #tpu.memory_space<vmem>>[vector<16xi32>], vector<16xi32>, vector<16xi1>
      %eq3A_191 = arith.constant 4 : i32
      %eq3A_192 = vector.broadcast %eq3A_191 : i32 to vector<16xi32>
      %eq3A_193 = arith.cmpi eq, %iota3A, %eq3A_192 : vector<16xi32>
      %and3A_194 = arith.andi %lt3A_175, %eq3A_193 : vector<16xi1>
      tpu.vector_store_idx %arg9[%sub3A_172], %add3A_174 masked %and3A_194 : memref<31250xi32, #tpu.memory_space<vmem>>[vector<16xi32>], vector<16xi32>, vector<16xi1>
      %eq3A_195 = arith.constant 5 : i32
      %eq3A_196 = vector.broadcast %eq3A_195 : i32 to vector<16xi32>
      %eq3A_197 = arith.cmpi eq, %iota3A, %eq3A_196 : vector<16xi32>
      %and3A_198 = arith.andi %lt3A_175, %eq3A_197 : vector<16xi1>
      tpu.vector_store_idx %arg9[%sub3A_172], %add3A_174 masked %and3A_198 : memref<31250xi32, #tpu.memory_space<vmem>>[vector<16xi32>], vector<16xi32>, vector<16xi1>
      %eq3A_199 = arith.constant 6 : i32
      %eq3A_200 = vector.broadcast %eq3A_199 : i32 to vector<16xi32>
      %eq3A_201 = arith.cmpi eq, %iota3A, %eq3A_200 : vector<16xi32>
      %and3A_202 = arith.andi %lt3A_175, %eq3A_201 : vector<16xi1>
      tpu.vector_store_idx %arg9[%sub3A_172], %add3A_174 masked %and3A_202 : memref<31250xi32, #tpu.memory_space<vmem>>[vector<16xi32>], vector<16xi32>, vector<16xi1>
      %eq3A_203 = arith.constant 7 : i32
      %eq3A_204 = vector.broadcast %eq3A_203 : i32 to vector<16xi32>
      %eq3A_205 = arith.cmpi eq, %iota3A, %eq3A_204 : vector<16xi32>
      %and3A_206 = arith.andi %lt3A_175, %eq3A_205 : vector<16xi1>
      tpu.vector_store_idx %arg9[%sub3A_172], %add3A_174 masked %and3A_206 : memref<31250xi32, #tpu.memory_space<vmem>>[vector<16xi32>], vector<16xi32>, vector<16xi1>
      %eq3A_207 = arith.constant 8 : i32
      %eq3A_208 = vector.broadcast %eq3A_207 : i32 to vector<16xi32>
      %eq3A_209 = arith.cmpi eq, %iota3A, %eq3A_208 : vector<16xi32>
      %and3A_210 = arith.andi %lt3A_175, %eq3A_209 : vector<16xi1>
      tpu.vector_store_idx %arg9[%sub3A_172], %add3A_174 masked %and3A_210 : memref<31250xi32, #tpu.memory_space<vmem>>[vector<16xi32>], vector<16xi32>, vector<16xi1>
      %eq3A_211 = arith.constant 9 : i32
      %eq3A_212 = vector.broadcast %eq3A_211 : i32 to vector<16xi32>
      %eq3A_213 = arith.cmpi eq, %iota3A, %eq3A_212 : vector<16xi32>
      %and3A_214 = arith.andi %lt3A_175, %eq3A_213 : vector<16xi1>
      tpu.vector_store_idx %arg9[%sub3A_172], %add3A_174 masked %and3A_214 : memref<31250xi32, #tpu.memory_space<vmem>>[vector<16xi32>], vector<16xi32>, vector<16xi1>
      %eq3A_215 = arith.constant 10 : i32
      %eq3A_216 = vector.broadcast %eq3A_215 : i32 to vector<16xi32>
      %eq3A_217 = arith.cmpi eq, %iota3A, %eq3A_216 : vector<16xi32>
      %and3A_218 = arith.andi %lt3A_175, %eq3A_217 : vector<16xi1>
      tpu.vector_store_idx %arg9[%sub3A_172], %add3A_174 masked %and3A_218 : memref<31250xi32, #tpu.memory_space<vmem>>[vector<16xi32>], vector<16xi32>, vector<16xi1>
      %eq3A_219 = arith.constant 11 : i32
      %eq3A_220 = vector.broadcast %eq3A_219 : i32 to vector<16xi32>
      %eq3A_221 = arith.cmpi eq, %iota3A, %eq3A_220 : vector<16xi32>
      %and3A_222 = arith.andi %lt3A_175, %eq3A_221 : vector<16xi1>
      tpu.vector_store_idx %arg9[%sub3A_172], %add3A_174 masked %and3A_222 : memref<31250xi32, #tpu.memory_space<vmem>>[vector<16xi32>], vector<16xi32>, vector<16xi1>
      %eq3A_223 = arith.constant 12 : i32
      %eq3A_224 = vector.broadcast %eq3A_223 : i32 to vector<16xi32>
      %eq3A_225 = arith.cmpi eq, %iota3A, %eq3A_224 : vector<16xi32>
      %and3A_226 = arith.andi %lt3A_175, %eq3A_225 : vector<16xi1>
      tpu.vector_store_idx %arg9[%sub3A_172], %add3A_174 masked %and3A_226 : memref<31250xi32, #tpu.memory_space<vmem>>[vector<16xi32>], vector<16xi32>, vector<16xi1>
      %eq3A_227 = arith.constant 13 : i32
      %eq3A_228 = vector.broadcast %eq3A_227 : i32 to vector<16xi32>
      %eq3A_229 = arith.cmpi eq, %iota3A, %eq3A_228 : vector<16xi32>
      %and3A_230 = arith.andi %lt3A_175, %eq3A_229 : vector<16xi1>
      tpu.vector_store_idx %arg9[%sub3A_172], %add3A_174 masked %and3A_230 : memref<31250xi32, #tpu.memory_space<vmem>>[vector<16xi32>], vector<16xi32>, vector<16xi1>
      %eq3A_231 = arith.constant 14 : i32
      %eq3A_232 = vector.broadcast %eq3A_231 : i32 to vector<16xi32>
      %eq3A_233 = arith.cmpi eq, %iota3A, %eq3A_232 : vector<16xi32>
      %and3A_234 = arith.andi %lt3A_175, %eq3A_233 : vector<16xi1>
      tpu.vector_store_idx %arg9[%sub3A_172], %add3A_174 masked %and3A_234 : memref<31250xi32, #tpu.memory_space<vmem>>[vector<16xi32>], vector<16xi32>, vector<16xi1>
      %eq3A_235 = arith.constant 15 : i32
      %eq3A_236 = vector.broadcast %eq3A_235 : i32 to vector<16xi32>
      %eq3A_237 = arith.cmpi eq, %iota3A, %eq3A_236 : vector<16xi32>
      %and3A_238 = arith.andi %lt3A_175, %eq3A_237 : vector<16xi1>
      tpu.vector_store_idx %arg9[%sub3A_172], %add3A_174 masked %and3A_238 : memref<31250xi32, #tpu.memory_space<vmem>>[vector<16xi32>], vector<16xi32>, vector<16xi1>
      %while3A_239 = arith.constant 0 : i32
      scf.yield %while3A_239 : i32
    }
    %while3A_38 = arith.constant 0 : i32
    %while3A_39 = arith.constant 0 : i32
    %while3A_40 = arith.subi %select_n3A, %while3A_38 : i32
    %while3A_41 = arith.addi %while3A_38, %while3A_40 : i32
    %while3A_42 = arith.constant 1 : i32
    %while3A_43 = arith.divsi %while3A_40, %while3A_42 : i32
    %while3A_44 = arith.muli %while3A_43, %while3A_42 : i32
    %while3A_45 = arith.addi %while3A_38, %while3A_44 : i32
    %while3A_46 = arith.constant 1 : i32
    %while3A_47 = scf.for %while3A_166 = %while3A_38 to %while3A_45 step %while3A_46 iter_args(%while3A_167 = %while3A_39) -> (i32)  : i32 {
      %mul3A_168 = arith.constant 16 : i32
      %mul3A_169 = arith.muli %while3A_166, %mul3A_168 : i32
      %get3A = arith.index_cast %mul3A_169 : i32 to index
      %get3A_170 = tpu.vector_load %arg7[%get3A] {strides = array<i32>} : memref<16384xi32, #tpu.memory_space<vmem>>, vector<16xi32>,
      %get3A_171 = arith.index_cast %mul3A_169 : i32 to index
      %get3A_172 = tpu.vector_load %arg8[%get3A_171] {strides = array<i32>} : memref<16384xi32, #tpu.memory_space<vmem>>, vector<16xi32>,
      %add3A_173 = vector.broadcast %mul3A_169 : i32 to vector<16xi32>
      %add3A_174 = arith.addi %add3A_173, %iota3A : vector<16xi32>
      %lt3A = vector.broadcast %scan3A_7 : i32 to vector<16xi32>
      %lt3A_175 = arith.cmpi slt, %add3A_174, %lt3A : vector<16xi32>
      %sub3A_176 = vector.broadcast %mul3A_2 : i32 to vector<16xi32>
      %sub3A_177 = arith.subi %get3A_170, %sub3A_176 : vector<16xi32>
      %jit3A_178 = arith.constant 0 : i32
      %jit3A_179 = arith.constant 31249 : i32
      %max3A = vector.broadcast %jit3A_178 : i32 to vector<16xi32>
      %max3A_180 = arith.maxsi %max3A, %sub3A_177 : vector<16xi32>
      %min3A = vector.broadcast %jit3A_179 : i32 to vector<16xi32>
      %min3A_181 = arith.minsi %min3A, %max3A_180 : vector<16xi32>
      %gather3A = tpu.vector_load_idx %arg9[%min3A_181] : memref<31250xi32, #tpu.memory_space<vmem>>[vector<16xi32>], vector<16xi32>,
      %eq3A = arith.cmpi eq, %gather3A, %add3A_174 : vector<16xi32>
      %and3A_182 = arith.andi %lt3A_175, %eq3A : vector<16xi1>
      %convert_element_type3A_183 = arith.extui %and3A_182 : vector<16xi1> to vector<16xi32>
      %broadcast_in_dim3A_184 = arith.constant true
      %broadcast_in_dim3A_185 = vector.broadcast %broadcast_in_dim3A_184 : i1 to vector<16xi1>
      %masked_cumsum3A = tpu.scan <sum>, %convert_element_type3A_183 masked %broadcast_in_dim3A_185 : vector<16xi32>, vector<16xi1> -> vector<16xi32>
      %add3A_186 = vector.broadcast %while3A_167 : i32 to vector<16xi32>
      %add3A_187 = arith.addi %add3A_186, %masked_cumsum3A : vector<16xi32>
      %sub3A_188 = arith.constant 1 : i32
      %sub3A_189 = vector.broadcast %sub3A_188 : i32 to vector<16xi32>
      %sub3A_190 = arith.subi %add3A_187, %sub3A_189 : vector<16xi32>
      tpu.vector_store_idx %arg7[%sub3A_190], %get3A_170 masked %and3A_182 : memref<16384xi32, #tpu.memory_space<vmem>>[vector<16xi32>], vector<16xi32>, vector<16xi1>
      tpu.vector_store_idx %arg8[%sub3A_190], %get3A_172 masked %and3A_182 : memref<16384xi32, #tpu.memory_space<vmem>>[vector<16xi32>], vector<16xi32>, vector<16xi1>
      %convert_element_type3A_191 = arith.extui %and3A_182 : vector<16xi1> to vector<16xi32>
      %reduce_sum3A = arith.constant true
      %reduce_sum3A_192 = vector.broadcast %reduce_sum3A : i1 to vector<16xi1>
      %reduce_sum3A_193 = tpu.scan <sum>, %convert_element_type3A_191 masked %reduce_sum3A_192 : vector<16xi32>, vector<16xi1> -> vector<16xi32>
      %reduce_sum3A_194 = vector.extract %reduce_sum3A_193[15] : i32 from vector<16xi32>
      %add3A_195 = arith.addi %while3A_167, %reduce_sum3A_194 : i32
      scf.yield %add3A_195 : i32
    }
    %while3A_48 = arith.constant 1 : i32
    %while3A_49 = scf.for %while3A_166 = %while3A_45 to %while3A_41 step %while3A_48 iter_args(%while3A_167 = %while3A_47) -> (i32)  : i32 {
      %mul3A_168 = arith.constant 16 : i32
      %mul3A_169 = arith.muli %while3A_166, %mul3A_168 : i32
      %get3A = arith.index_cast %mul3A_169 : i32 to index
      %get3A_170 = tpu.vector_load %arg7[%get3A] {strides = array<i32>} : memref<16384xi32, #tpu.memory_space<vmem>>, vector<16xi32>,
      %get3A_171 = arith.index_cast %mul3A_169 : i32 to index
      %get3A_172 = tpu.vector_load %arg8[%get3A_171] {strides = array<i32>} : memref<16384xi32, #tpu.memory_space<vmem>>, vector<16xi32>,
      %add3A_173 = vector.broadcast %mul3A_169 : i32 to vector<16xi32>
      %add3A_174 = arith.addi %add3A_173, %iota3A : vector<16xi32>
      %lt3A = vector.broadcast %scan3A_7 : i32 to vector<16xi32>
      %lt3A_175 = arith.cmpi slt, %add3A_174, %lt3A : vector<16xi32>
      %sub3A_176 = vector.broadcast %mul3A_2 : i32 to vector<16xi32>
      %sub3A_177 = arith.subi %get3A_170, %sub3A_176 : vector<16xi32>
      %jit3A_178 = arith.constant 0 : i32
      %jit3A_179 = arith.constant 31249 : i32
      %max3A = vector.broadcast %jit3A_178 : i32 to vector<16xi32>
      %max3A_180 = arith.maxsi %max3A, %sub3A_177 : vector<16xi32>
      %min3A = vector.broadcast %jit3A_179 : i32 to vector<16xi32>
      %min3A_181 = arith.minsi %min3A, %max3A_180 : vector<16xi32>
      %gather3A = tpu.vector_load_idx %arg9[%min3A_181] : memref<31250xi32, #tpu.memory_space<vmem>>[vector<16xi32>], vector<16xi32>,
      %eq3A = arith.cmpi eq, %gather3A, %add3A_174 : vector<16xi32>
      %and3A_182 = arith.andi %lt3A_175, %eq3A : vector<16xi1>
      %convert_element_type3A_183 = arith.extui %and3A_182 : vector<16xi1> to vector<16xi32>
      %broadcast_in_dim3A_184 = arith.constant true
      %broadcast_in_dim3A_185 = vector.broadcast %broadcast_in_dim3A_184 : i1 to vector<16xi1>
      %masked_cumsum3A = tpu.scan <sum>, %convert_element_type3A_183 masked %broadcast_in_dim3A_185 : vector<16xi32>, vector<16xi1> -> vector<16xi32>
      %add3A_186 = vector.broadcast %while3A_167 : i32 to vector<16xi32>
      %add3A_187 = arith.addi %add3A_186, %masked_cumsum3A : vector<16xi32>
      %sub3A_188 = arith.constant 1 : i32
      %sub3A_189 = vector.broadcast %sub3A_188 : i32 to vector<16xi32>
      %sub3A_190 = arith.subi %add3A_187, %sub3A_189 : vector<16xi32>
      tpu.vector_store_idx %arg7[%sub3A_190], %get3A_170 masked %and3A_182 : memref<16384xi32, #tpu.memory_space<vmem>>[vector<16xi32>], vector<16xi32>, vector<16xi1>
      tpu.vector_store_idx %arg8[%sub3A_190], %get3A_172 masked %and3A_182 : memref<16384xi32, #tpu.memory_space<vmem>>[vector<16xi32>], vector<16xi32>, vector<16xi1>
      %convert_element_type3A_191 = arith.extui %and3A_182 : vector<16xi1> to vector<16xi32>
      %reduce_sum3A = arith.constant true
      %reduce_sum3A_192 = vector.broadcast %reduce_sum3A : i1 to vector<16xi1>
      %reduce_sum3A_193 = tpu.scan <sum>, %convert_element_type3A_191 masked %reduce_sum3A_192 : vector<16xi32>, vector<16xi1> -> vector<16xi32>
      %reduce_sum3A_194 = vector.extract %reduce_sum3A_193[15] : i32 from vector<16xi32>
      %add3A_195 = arith.addi %while3A_167, %reduce_sum3A_194 : i32
      scf.yield %add3A_195 : i32
    }
    %add3A_50 = arith.constant 128 : i32
    %add3A_51 = arith.addi %while3A_49, %add3A_50 : i32
    %sub3A_52 = arith.constant 1 : i32
    %sub3A_53 = arith.subi %add3A_51, %sub3A_52 : i32
    %jit3A_54 = arith.constant 128 : i32
    %div3A_55 = arith.divsi %sub3A_53, %jit3A_54 : i32
    %sign3A_56 = arith.constant 0 : i32
    %sign3A_57 = arith.cmpi sgt, %sub3A_53, %sign3A_56 : i32
    %sign3A_58 = arith.extui %sign3A_57 : i1 to i32
    %sign3A_59 = arith.constant 0 : i32
    %sign3A_60 = arith.cmpi slt, %sub3A_53, %sign3A_59 : i32
    %sign3A_61 = arith.extui %sign3A_60 : i1 to i32
    %sign3A_62 = arith.subi %sign3A_58, %sign3A_61 : i32
    %sign3A_63 = arith.constant 0 : i32
    %sign3A_64 = arith.cmpi sgt, %jit3A_54, %sign3A_63 : i32
    %sign3A_65 = arith.extui %sign3A_64 : i1 to i32
    %sign3A_66 = arith.constant 0 : i32
    %sign3A_67 = arith.cmpi slt, %jit3A_54, %sign3A_66 : i32
    %sign3A_68 = arith.extui %sign3A_67 : i1 to i32
    %sign3A_69 = arith.subi %sign3A_65, %sign3A_68 : i32
    %ne3A_70 = arith.cmpi ne, %sign3A_62, %sign3A_69 : i32
    %rem3A_71 = arith.remsi %sub3A_53, %jit3A_54 : i32
    %ne3A_72 = arith.constant 0 : i32
    %ne3A_73 = arith.cmpi ne, %rem3A_71, %ne3A_72 : i32
    %and3A_74 = arith.andi %ne3A_70, %ne3A_73 : i1
    %sub3A_75 = arith.constant 1 : i32
    %sub3A_76 = arith.subi %div3A_55, %sub3A_75 : i32
    %select_n3A_77 = arith.select %and3A_74, %sub3A_76, %div3A_55 : i32
    %mul3A_78 = arith.constant 128 : i32
    %mul3A_79 = arith.muli %select_n3A_77, %mul3A_78 : i32
    %broadcast_in_dim3A = arith.constant 0 : i32
    %broadcast_in_dim3A_80 = vector.broadcast %broadcast_in_dim3A : i32 to vector<16xi32>
    %gt3A = arith.constant 0 : i32
    %gt3A_81 = arith.cmpi sgt, %while3A_49, %gt3A : i32
    %convert_element_type3A = arith.extui %gt3A_81 : i1 to i32
    %cond3A = arith.constant 0 : i32
    %cond3A_82 = arith.cmpi ne, %convert_element_type3A, %cond3A : i32
    scf.if %cond3A_82 {
      %gather3A = tpu.vector_load_idx %arg7[%broadcast_in_dim3A_80] : memref<16384xi32, #tpu.memory_space<vmem>>[vector<16xi32>], vector<16xi32>,
      %gather3A_166 = tpu.vector_load_idx %arg8[%broadcast_in_dim3A_80] : memref<16384xi32, #tpu.memory_space<vmem>>[vector<16xi32>], vector<16xi32>,
      %jit3A_167 = arith.constant 16 : i32
      %div3A_168 = arith.divsi %while3A_49, %jit3A_167 : i32
      %sign3A_169 = arith.constant 0 : i32
      %sign3A_170 = arith.cmpi sgt, %while3A_49, %sign3A_169 : i32
      %sign3A_171 = arith.extui %sign3A_170 : i1 to i32
      %sign3A_172 = arith.constant 0 : i32
      %sign3A_173 = arith.cmpi slt, %while3A_49, %sign3A_172 : i32
      %sign3A_174 = arith.extui %sign3A_173 : i1 to i32
      %sign3A_175 = arith.subi %sign3A_171, %sign3A_174 : i32
      %sign3A_176 = arith.constant 0 : i32
      %sign3A_177 = arith.cmpi sgt, %jit3A_167, %sign3A_176 : i32
      %sign3A_178 = arith.extui %sign3A_177 : i1 to i32
      %sign3A_179 = arith.constant 0 : i32
      %sign3A_180 = arith.cmpi slt, %jit3A_167, %sign3A_179 : i32
      %sign3A_181 = arith.extui %sign3A_180 : i1 to i32
      %sign3A_182 = arith.subi %sign3A_178, %sign3A_181 : i32
      %ne3A_183 = arith.cmpi ne, %sign3A_175, %sign3A_182 : i32
      %rem3A_184 = arith.remsi %while3A_49, %jit3A_167 : i32
      %ne3A_185 = arith.constant 0 : i32
      %ne3A_186 = arith.cmpi ne, %rem3A_184, %ne3A_185 : i32
      %and3A_187 = arith.andi %ne3A_183, %ne3A_186 : i1
      %sub3A_188 = arith.constant 1 : i32
      %sub3A_189 = arith.subi %div3A_168, %sub3A_188 : i32
      %select_n3A_190 = arith.select %and3A_187, %sub3A_189, %div3A_168 : i32
      %jit3A_191 = arith.constant 16 : i32
      %div3A_192 = arith.divsi %mul3A_79, %jit3A_191 : i32
      %sign3A_193 = arith.constant 0 : i32
      %sign3A_194 = arith.cmpi sgt, %mul3A_79, %sign3A_193 : i32
      %sign3A_195 = arith.extui %sign3A_194 : i1 to i32
      %sign3A_196 = arith.constant 0 : i32
      %sign3A_197 = arith.cmpi slt, %mul3A_79, %sign3A_196 : i32
      %sign3A_198 = arith.extui %sign3A_197 : i1 to i32
      %sign3A_199 = arith.subi %sign3A_195, %sign3A_198 : i32
      %sign3A_200 = arith.constant 0 : i32
      %sign3A_201 = arith.cmpi sgt, %jit3A_191, %sign3A_200 : i32
      %sign3A_202 = arith.extui %sign3A_201 : i1 to i32
      %sign3A_203 = arith.constant 0 : i32
      %sign3A_204 = arith.cmpi slt, %jit3A_191, %sign3A_203 : i32
      %sign3A_205 = arith.extui %sign3A_204 : i1 to i32
      %sign3A_206 = arith.subi %sign3A_202, %sign3A_205 : i32
      %ne3A_207 = arith.cmpi ne, %sign3A_199, %sign3A_206 : i32
      %rem3A_208 = arith.remsi %mul3A_79, %jit3A_191 : i32
      %ne3A_209 = arith.constant 0 : i32
      %ne3A_210 = arith.cmpi ne, %rem3A_208, %ne3A_209 : i32
      %and3A_211 = arith.andi %ne3A_207, %ne3A_210 : i1
      %sub3A_212 = arith.constant 1 : i32
      %sub3A_213 = arith.subi %div3A_192, %sub3A_212 : i32
      %select_n3A_214 = arith.select %and3A_211, %sub3A_213, %div3A_192 : i32
      %while3A_215 = arith.constant 0 : i32
      %while3A_216 = arith.subi %select_n3A_214, %select_n3A_190 : i32
      %while3A_217 = arith.addi %select_n3A_190, %while3A_216 : i32
      %while3A_218 = arith.constant 1 : i32
      %while3A_219 = arith.divsi %while3A_216, %while3A_218 : i32
      %while3A_220 = arith.muli %while3A_219, %while3A_218 : i32
      %while3A_221 = arith.addi %select_n3A_190, %while3A_220 : i32
      %while3A_222 = arith.constant 1 : i32
      %while3A_223 = scf.for %while3A_226 = %select_n3A_190 to %while3A_221 step %while3A_222 iter_args(%while3A_227 = %while3A_215) -> (i32)  : i32 {
        %mul3A_228 = arith.constant 16 : i32
        %mul3A_229 = arith.muli %while3A_226, %mul3A_228 : i32
        %add3A_230 = vector.broadcast %mul3A_229 : i32 to vector<16xi32>
        %add3A_231 = arith.addi %add3A_230, %iota3A : vector<16xi32>
        %get3A = arith.index_cast %mul3A_229 : i32 to index
        %get3A_232 = tpu.vector_load %arg7[%get3A] {strides = array<i32>} : memref<16384xi32, #tpu.memory_space<vmem>>, vector<16xi32>,
        %get3A_233 = arith.index_cast %mul3A_229 : i32 to index
        %get3A_234 = tpu.vector_load %arg8[%get3A_233] {strides = array<i32>} : memref<16384xi32, #tpu.memory_space<vmem>>, vector<16xi32>,
        %ge3A = vector.broadcast %while3A_49 : i32 to vector<16xi32>
        %ge3A_235 = arith.cmpi sge, %add3A_231, %ge3A : vector<16xi32>
        %select_n3A_236 = arith.select %ge3A_235, %gather3A, %get3A_232 : vector<16xi1>, vector<16xi32>
        %swap3A = arith.index_cast %mul3A_229 : i32 to index
        %swap3A_237 = tpu.vector_load %arg7[%swap3A] {strides = array<i32>} : memref<16384xi32, #tpu.memory_space<vmem>>, vector<16xi32>,
        tpu.vector_store %arg7[%swap3A], %select_n3A_236 {strides = array<i32>} : memref<16384xi32, #tpu.memory_space<vmem>>, vector<16xi32>,
        %ge3A_238 = vector.broadcast %while3A_49 : i32 to vector<16xi32>
        %ge3A_239 = arith.cmpi sge, %add3A_231, %ge3A_238 : vector<16xi32>
        %select_n3A_240 = arith.select %ge3A_239, %gather3A_166, %get3A_234 : vector<16xi1>, vector<16xi32>
        %swap3A_241 = arith.index_cast %mul3A_229 : i32 to index
        %swap3A_242 = tpu.vector_load %arg8[%swap3A_241] {strides = array<i32>} : memref<16384xi32, #tpu.memory_space<vmem>>, vector<16xi32>,
        tpu.vector_store %arg8[%swap3A_241], %select_n3A_240 {strides = array<i32>} : memref<16384xi32, #tpu.memory_space<vmem>>, vector<16xi32>,
        %while3A_243 = arith.constant 0 : i32
        scf.yield %while3A_243 : i32
      }
      %while3A_224 = arith.constant 1 : i32
      %while3A_225 = scf.for %while3A_226 = %while3A_221 to %while3A_217 step %while3A_224 iter_args(%while3A_227 = %while3A_223) -> (i32)  : i32 {
        %mul3A_228 = arith.constant 16 : i32
        %mul3A_229 = arith.muli %while3A_226, %mul3A_228 : i32
        %add3A_230 = vector.broadcast %mul3A_229 : i32 to vector<16xi32>
        %add3A_231 = arith.addi %add3A_230, %iota3A : vector<16xi32>
        %get3A = arith.index_cast %mul3A_229 : i32 to index
        %get3A_232 = tpu.vector_load %arg7[%get3A] {strides = array<i32>} : memref<16384xi32, #tpu.memory_space<vmem>>, vector<16xi32>,
        %get3A_233 = arith.index_cast %mul3A_229 : i32 to index
        %get3A_234 = tpu.vector_load %arg8[%get3A_233] {strides = array<i32>} : memref<16384xi32, #tpu.memory_space<vmem>>, vector<16xi32>,
        %ge3A = vector.broadcast %while3A_49 : i32 to vector<16xi32>
        %ge3A_235 = arith.cmpi sge, %add3A_231, %ge3A : vector<16xi32>
        %select_n3A_236 = arith.select %ge3A_235, %gather3A, %get3A_232 : vector<16xi1>, vector<16xi32>
        %swap3A = arith.index_cast %mul3A_229 : i32 to index
        %swap3A_237 = tpu.vector_load %arg7[%swap3A] {strides = array<i32>} : memref<16384xi32, #tpu.memory_space<vmem>>, vector<16xi32>,
        tpu.vector_store %arg7[%swap3A], %select_n3A_236 {strides = array<i32>} : memref<16384xi32, #tpu.memory_space<vmem>>, vector<16xi32>,
        %ge3A_238 = vector.broadcast %while3A_49 : i32 to vector<16xi32>
        %ge3A_239 = arith.cmpi sge, %add3A_231, %ge3A_238 : vector<16xi32>
        %select_n3A_240 = arith.select %ge3A_239, %gather3A_166, %get3A_234 : vector<16xi1>, vector<16xi32>
        %swap3A_241 = arith.index_cast %mul3A_229 : i32 to index
        %swap3A_242 = tpu.vector_load %arg8[%swap3A_241] {strides = array<i32>} : memref<16384xi32, #tpu.memory_space<vmem>>, vector<16xi32>,
        tpu.vector_store %arg8[%swap3A_241], %select_n3A_240 {strides = array<i32>} : memref<16384xi32, #tpu.memory_space<vmem>>, vector<16xi32>,
        %while3A_243 = arith.constant 0 : i32
        scf.yield %while3A_243 : i32
      }
    } else {
    }
    %dma_start3A = arith.constant 0 : i32
    %dma_start3A_83 = tpu.memref_slice %arg2[%mul3A_2, %dma_start3A] : memref<1000000x64xf32, #tpu.memory_space<hbm>> -> memref<125x64xf32, #tpu.memory_space<hbm>>
    %dma_start3A_84 = arith.constant 0 : i32
    %dma_start3A_85 = tpu.memref_slice %arg2[%mul3A_2, %dma_start3A_84] : memref<1000000x64xf32, #tpu.memory_space<hbm>> -> memref<125x64xf32, #tpu.memory_space<hbm>>
    tpu.enqueue_dma source(%dma_start3A_85 : memref<125x64xf32, #tpu.memory_space<hbm>>) target(%arg10 : memref<125x64xf32, #tpu.memory_space<vmem>>) target_semaphore(%arg15 : memref<!tpu.dma_semaphore, #tpu.memory_space<semaphore_mem>>)
    %add3A_86 = arith.constant 125 : i32
    %add3A_87 = arith.addi %mul3A_2, %add3A_86 : i32
    %dma_start3A_88 = arith.constant 0 : i32
    %dma_start3A_89 = tpu.memref_slice %arg2[%add3A_87, %dma_start3A_88] : memref<1000000x64xf32, #tpu.memory_space<hbm>> -> memref<125x64xf32, #tpu.memory_space<hbm>>
    %dma_start3A_90 = arith.constant 0 : i32
    %dma_start3A_91 = tpu.memref_slice %arg2[%add3A_87, %dma_start3A_90] : memref<1000000x64xf32, #tpu.memory_space<hbm>> -> memref<125x64xf32, #tpu.memory_space<hbm>>
    tpu.enqueue_dma source(%dma_start3A_91 : memref<125x64xf32, #tpu.memory_space<hbm>>) target(%arg11 : memref<125x64xf32, #tpu.memory_space<vmem>>) target_semaphore(%arg17 : memref<!tpu.dma_semaphore, #tpu.memory_space<semaphore_mem>>)
    %scan3A_92 = arith.constant 0 : i32
    %scan3A_93 = arith.constant 0 : i32
    %scan3A_94 = arith.constant 124 : i32
    %scan3A_95 = arith.addi %scan3A_93, %scan3A_94 : i32
    %scan3A_96 = arith.constant 1 : i32
    %scan3A_97 = scf.for %scan3A_166 = %scan3A_93 to %scan3A_95 step %scan3A_96 iter_args(%scan3A_167 = %scan3A_92) -> (i32)  : i32 {
      %mul3A_168 = arith.constant 2 : i32
      %mul3A_169 = arith.muli %mul3A_168, %scan3A_166 : i32
      %mul3A_170 = arith.constant 2 : i32
      %mul3A_171 = arith.muli %mul3A_170, %scan3A_166 : i32
      %add3A_172 = arith.constant 1 : i32
      %add3A_173 = arith.addi %mul3A_171, %add3A_172 : i32
      %mul3A_174 = arith.constant 125 : i32
      %mul3A_175 = arith.muli %mul3A_169, %mul3A_174 : i32
      %add3A_176 = arith.addi %mul3A_2, %mul3A_175 : i32
      %mul3A_177 = arith.constant 125 : i32
      %mul3A_178 = arith.muli %add3A_173, %mul3A_177 : i32
      %add3A_179 = arith.addi %mul3A_2, %mul3A_178 : i32
      %dma_wait3A_180 = arith.constant 0 : i32
      %dma_wait3A_181 = tpu.memref_slice %arg2[%add3A_176, %dma_wait3A_180] : memref<1000000x64xf32, #tpu.memory_space<hbm>> -> memref<125x64xf32, #tpu.memory_space<hbm>>
      %dma_wait3A_182 = arith.constant 0 : i32
      %dma_wait3A_183 = tpu.memref_slice %arg2[%add3A_176, %dma_wait3A_182] : memref<1000000x64xf32, #tpu.memory_space<hbm>> -> memref<125x64xf32, #tpu.memory_space<hbm>>
      tpu.wait_dma2 semaphore(%arg15 : memref<!tpu.dma_semaphore, #tpu.memory_space<semaphore_mem>>) src(%dma_wait3A_183 : memref<125x64xf32, #tpu.memory_space<hbm>>) dst(%arg10 : memref<125x64xf32, #tpu.memory_space<vmem>>)
      %dma_start3A_184 = arith.constant 0 : i32
      %dma_start3A_185 = tpu.memref_slice %arg5[%add3A_176, %dma_start3A_184] : memref<1000000x64xf32, #tpu.memory_space<hbm>> -> memref<125x64xf32, #tpu.memory_space<hbm>>
      %dma_start3A_186 = arith.constant 0 : i32
      %dma_start3A_187 = tpu.memref_slice %arg5[%add3A_176, %dma_start3A_186] : memref<1000000x64xf32, #tpu.memory_space<hbm>> -> memref<125x64xf32, #tpu.memory_space<hbm>>
      tpu.enqueue_dma source(%arg10 : memref<125x64xf32, #tpu.memory_space<vmem>>) target(%dma_start3A_187 : memref<125x64xf32, #tpu.memory_space<hbm>>) target_semaphore(%arg16 : memref<!tpu.dma_semaphore, #tpu.memory_space<semaphore_mem>>)
      %dma_wait3A_188 = arith.constant 0 : i32
      %dma_wait3A_189 = tpu.memref_slice %arg2[%add3A_179, %dma_wait3A_188] : memref<1000000x64xf32, #tpu.memory_space<hbm>> -> memref<125x64xf32, #tpu.memory_space<hbm>>
      %dma_wait3A_190 = arith.constant 0 : i32
      %dma_wait3A_191 = tpu.memref_slice %arg2[%add3A_179, %dma_wait3A_190] : memref<1000000x64xf32, #tpu.memory_space<hbm>> -> memref<125x64xf32, #tpu.memory_space<hbm>>
      tpu.wait_dma2 semaphore(%arg17 : memref<!tpu.dma_semaphore, #tpu.memory_space<semaphore_mem>>) src(%dma_wait3A_191 : memref<125x64xf32, #tpu.memory_space<hbm>>) dst(%arg11 : memref<125x64xf32, #tpu.memory_space<vmem>>)
      %dma_start3A_192 = arith.constant 0 : i32
      %dma_start3A_193 = tpu.memref_slice %arg5[%add3A_179, %dma_start3A_192] : memref<1000000x64xf32, #tpu.memory_space<hbm>> -> memref<125x64xf32, #tpu.memory_space<hbm>>
      %dma_start3A_194 = arith.constant 0 : i32
      %dma_start3A_195 = tpu.memref_slice %arg5[%add3A_179, %dma_start3A_194] : memref<1000000x64xf32, #tpu.memory_space<hbm>> -> memref<125x64xf32, #tpu.memory_space<hbm>>
      tpu.enqueue_dma source(%arg11 : memref<125x64xf32, #tpu.memory_space<vmem>>) target(%dma_start3A_195 : memref<125x64xf32, #tpu.memory_space<hbm>>) target_semaphore(%arg18 : memref<!tpu.dma_semaphore, #tpu.memory_space<semaphore_mem>>)
      %dma_wait3A_196 = arith.constant 0 : i32
      %dma_wait3A_197 = tpu.memref_slice %arg5[%add3A_176, %dma_wait3A_196] : memref<1000000x64xf32, #tpu.memory_space<hbm>> -> memref<125x64xf32, #tpu.memory_space<hbm>>
      %dma_wait3A_198 = arith.constant 0 : i32
      %dma_wait3A_199 = tpu.memref_slice %arg5[%add3A_176, %dma_wait3A_198] : memref<1000000x64xf32, #tpu.memory_space<hbm>> -> memref<125x64xf32, #tpu.memory_space<hbm>>
      tpu.wait_dma2 semaphore(%arg16 : memref<!tpu.dma_semaphore, #tpu.memory_space<semaphore_mem>>) src(%arg10 : memref<125x64xf32, #tpu.memory_space<vmem>>) dst(%dma_wait3A_199 : memref<125x64xf32, #tpu.memory_space<hbm>>)
      %add3A_200 = arith.constant 250 : i32
      %add3A_201 = arith.addi %add3A_176, %add3A_200 : i32
      %dma_start3A_202 = arith.constant 0 : i32
      %dma_start3A_203 = tpu.memref_slice %arg2[%add3A_201, %dma_start3A_202] : memref<1000000x64xf32, #tpu.memory_space<hbm>> -> memref<125x64xf32, #tpu.memory_space<hbm>>
      %dma_start3A_204 = arith.constant 0 : i32
      %dma_start3A_205 = tpu.memref_slice %arg2[%add3A_201, %dma_start3A_204] : memref<1000000x64xf32, #tpu.memory_space<hbm>> -> memref<125x64xf32, #tpu.memory_space<hbm>>
      tpu.enqueue_dma source(%dma_start3A_205 : memref<125x64xf32, #tpu.memory_space<hbm>>) target(%arg10 : memref<125x64xf32, #tpu.memory_space<vmem>>) target_semaphore(%arg15 : memref<!tpu.dma_semaphore, #tpu.memory_space<semaphore_mem>>)
      %dma_wait3A_206 = arith.constant 0 : i32
      %dma_wait3A_207 = tpu.memref_slice %arg5[%add3A_179, %dma_wait3A_206] : memref<1000000x64xf32, #tpu.memory_space<hbm>> -> memref<125x64xf32, #tpu.memory_space<hbm>>
      %dma_wait3A_208 = arith.constant 0 : i32
      %dma_wait3A_209 = tpu.memref_slice %arg5[%add3A_179, %dma_wait3A_208] : memref<1000000x64xf32, #tpu.memory_space<hbm>> -> memref<125x64xf32, #tpu.memory_space<hbm>>
      tpu.wait_dma2 semaphore(%arg18 : memref<!tpu.dma_semaphore, #tpu.memory_space<semaphore_mem>>) src(%arg11 : memref<125x64xf32, #tpu.memory_space<vmem>>) dst(%dma_wait3A_209 : memref<125x64xf32, #tpu.memory_space<hbm>>)
      %add3A_210 = arith.constant 250 : i32
      %add3A_211 = arith.addi %add3A_179, %add3A_210 : i32
      %dma_start3A_212 = arith.constant 0 : i32
      %dma_start3A_213 = tpu.memref_slice %arg2[%add3A_211, %dma_start3A_212] : memref<1000000x64xf32, #tpu.memory_space<hbm>> -> memref<125x64xf32, #tpu.memory_space<hbm>>
      %dma_start3A_214 = arith.constant 0 : i32
      %dma_start3A_215 = tpu.memref_slice %arg2[%add3A_211, %dma_start3A_214] : memref<1000000x64xf32, #tpu.memory_space<hbm>> -> memref<125x64xf32, #tpu.memory_space<hbm>>
      tpu.enqueue_dma source(%dma_start3A_215 : memref<125x64xf32, #tpu.memory_space<hbm>>) target(%arg11 : memref<125x64xf32, #tpu.memory_space<vmem>>) target_semaphore(%arg17 : memref<!tpu.dma_semaphore, #tpu.memory_space<semaphore_mem>>)
      %scan3A_216 = arith.constant 0 : i32
      scf.yield %scan3A_216 : i32
    }
    %scan3A_98 = arith.constant 124 : i32
    %add3A_99 = arith.constant 31000 : i32
    %add3A_100 = arith.addi %mul3A_2, %add3A_99 : i32
    %add3A_101 = arith.constant 31125 : i32
    %add3A_102 = arith.addi %mul3A_2, %add3A_101 : i32
    %dma_wait3A = arith.constant 0 : i32
    %dma_wait3A_103 = tpu.memref_slice %arg2[%add3A_100, %dma_wait3A] : memref<1000000x64xf32, #tpu.memory_space<hbm>> -> memref<125x64xf32, #tpu.memory_space<hbm>>
    %dma_wait3A_104 = arith.constant 0 : i32
    %dma_wait3A_105 = tpu.memref_slice %arg2[%add3A_100, %dma_wait3A_104] : memref<1000000x64xf32, #tpu.memory_space<hbm>> -> memref<125x64xf32, #tpu.memory_space<hbm>>
    tpu.wait_dma2 semaphore(%arg15 : memref<!tpu.dma_semaphore, #tpu.memory_space<semaphore_mem>>) src(%dma_wait3A_105 : memref<125x64xf32, #tpu.memory_space<hbm>>) dst(%arg10 : memref<125x64xf32, #tpu.memory_space<vmem>>)
    %dma_start3A_106 = arith.constant 0 : i32
    %dma_start3A_107 = tpu.memref_slice %arg5[%add3A_100, %dma_start3A_106] : memref<1000000x64xf32, #tpu.memory_space<hbm>> -> memref<125x64xf32, #tpu.memory_space<hbm>>
    %dma_start3A_108 = arith.constant 0 : i32
    %dma_start3A_109 = tpu.memref_slice %arg5[%add3A_100, %dma_start3A_108] : memref<1000000x64xf32, #tpu.memory_space<hbm>> -> memref<125x64xf32, #tpu.memory_space<hbm>>
    tpu.enqueue_dma source(%arg10 : memref<125x64xf32, #tpu.memory_space<vmem>>) target(%dma_start3A_109 : memref<125x64xf32, #tpu.memory_space<hbm>>) target_semaphore(%arg16 : memref<!tpu.dma_semaphore, #tpu.memory_space<semaphore_mem>>)
    %dma_wait3A_110 = arith.constant 0 : i32
    %dma_wait3A_111 = tpu.memref_slice %arg2[%add3A_102, %dma_wait3A_110] : memref<1000000x64xf32, #tpu.memory_space<hbm>> -> memref<125x64xf32, #tpu.memory_space<hbm>>
    %dma_wait3A_112 = arith.constant 0 : i32
    %dma_wait3A_113 = tpu.memref_slice %arg2[%add3A_102, %dma_wait3A_112] : memref<1000000x64xf32, #tpu.memory_space<hbm>> -> memref<125x64xf32, #tpu.memory_space<hbm>>
    tpu.wait_dma2 semaphore(%arg17 : memref<!tpu.dma_semaphore, #tpu.memory_space<semaphore_mem>>) src(%dma_wait3A_113 : memref<125x64xf32, #tpu.memory_space<hbm>>) dst(%arg11 : memref<125x64xf32, #tpu.memory_space<vmem>>)
    %dma_start3A_114 = arith.constant 0 : i32
    %dma_start3A_115 = tpu.memref_slice %arg5[%add3A_102, %dma_start3A_114] : memref<1000000x64xf32, #tpu.memory_space<hbm>> -> memref<125x64xf32, #tpu.memory_space<hbm>>
    %dma_start3A_116 = arith.constant 0 : i32
    %dma_start3A_117 = tpu.memref_slice %arg5[%add3A_102, %dma_start3A_116] : memref<1000000x64xf32, #tpu.memory_space<hbm>> -> memref<125x64xf32, #tpu.memory_space<hbm>>
    tpu.enqueue_dma source(%arg11 : memref<125x64xf32, #tpu.memory_space<vmem>>) target(%dma_start3A_117 : memref<125x64xf32, #tpu.memory_space<hbm>>) target_semaphore(%arg18 : memref<!tpu.dma_semaphore, #tpu.memory_space<semaphore_mem>>)
    %dma_wait3A_118 = arith.constant 0 : i32
    %dma_wait3A_119 = tpu.memref_slice %arg5[%add3A_100, %dma_wait3A_118] : memref<1000000x64xf32, #tpu.memory_space<hbm>> -> memref<125x64xf32, #tpu.memory_space<hbm>>
    %dma_wait3A_120 = arith.constant 0 : i32
    %dma_wait3A_121 = tpu.memref_slice %arg5[%add3A_100, %dma_wait3A_120] : memref<1000000x64xf32, #tpu.memory_space<hbm>> -> memref<125x64xf32, #tpu.memory_space<hbm>>
    tpu.wait_dma2 semaphore(%arg16 : memref<!tpu.dma_semaphore, #tpu.memory_space<semaphore_mem>>) src(%arg10 : memref<125x64xf32, #tpu.memory_space<vmem>>) dst(%dma_wait3A_121 : memref<125x64xf32, #tpu.memory_space<hbm>>)
    %dma_wait3A_122 = arith.constant 0 : i32
    %dma_wait3A_123 = tpu.memref_slice %arg5[%add3A_102, %dma_wait3A_122] : memref<1000000x64xf32, #tpu.memory_space<hbm>> -> memref<125x64xf32, #tpu.memory_space<hbm>>
    %dma_wait3A_124 = arith.constant 0 : i32
    %dma_wait3A_125 = tpu.memref_slice %arg5[%add3A_102, %dma_wait3A_124] : memref<1000000x64xf32, #tpu.memory_space<hbm>> -> memref<125x64xf32, #tpu.memory_space<hbm>>
    tpu.wait_dma2 semaphore(%arg18 : memref<!tpu.dma_semaphore, #tpu.memory_space<semaphore_mem>>) src(%arg11 : memref<125x64xf32, #tpu.memory_space<vmem>>) dst(%dma_wait3A_125 : memref<125x64xf32, #tpu.memory_space<hbm>>)
    %add3A_126 = arith.constant 128 : i32
    %add3A_127 = arith.addi %while3A_49, %add3A_126 : i32
    %sub3A_128 = arith.constant 1 : i32
    %sub3A_129 = arith.subi %add3A_127, %sub3A_128 : i32
    %jit3A_130 = arith.constant 128 : i32
    %div3A_131 = arith.divsi %sub3A_129, %jit3A_130 : i32
    %sign3A_132 = arith.constant 0 : i32
    %sign3A_133 = arith.cmpi sgt, %sub3A_129, %sign3A_132 : i32
    %sign3A_134 = arith.extui %sign3A_133 : i1 to i32
    %sign3A_135 = arith.constant 0 : i32
    %sign3A_136 = arith.cmpi slt, %sub3A_129, %sign3A_135 : i32
    %sign3A_137 = arith.extui %sign3A_136 : i1 to i32
    %sign3A_138 = arith.subi %sign3A_134, %sign3A_137 : i32
    %sign3A_139 = arith.constant 0 : i32
    %sign3A_140 = arith.cmpi sgt, %jit3A_130, %sign3A_139 : i32
    %sign3A_141 = arith.extui %sign3A_140 : i1 to i32
    %sign3A_142 = arith.constant 0 : i32
    %sign3A_143 = arith.cmpi slt, %jit3A_130, %sign3A_142 : i32
    %sign3A_144 = arith.extui %sign3A_143 : i1 to i32
    %sign3A_145 = arith.subi %sign3A_141, %sign3A_144 : i32
    %ne3A_146 = arith.cmpi ne, %sign3A_138, %sign3A_145 : i32
    %rem3A_147 = arith.remsi %sub3A_129, %jit3A_130 : i32
    %ne3A_148 = arith.constant 0 : i32
    %ne3A_149 = arith.cmpi ne, %rem3A_147, %ne3A_148 : i32
    %and3A_150 = arith.andi %ne3A_146, %ne3A_149 : i1
    %sub3A_151 = arith.constant 1 : i32
    %sub3A_152 = arith.subi %div3A_131, %sub3A_151 : i32
    %select_n3A_153 = arith.select %and3A_150, %sub3A_152, %div3A_131 : i32
    %while3A_154 = arith.constant 0 : i32
    %while3A_155 = arith.constant 0 : i32
    %while3A_156 = arith.subi %select_n3A_153, %while3A_154 : i32
    %while3A_157 = arith.addi %while3A_154, %while3A_156 : i32
    %while3A_158 = arith.constant 1 : i32
    %while3A_159 = arith.divsi %while3A_156, %while3A_158 : i32
    %while3A_160 = arith.muli %while3A_159, %while3A_158 : i32
    %while3A_161 = arith.addi %while3A_154, %while3A_160 : i32
    %while3A_162 = arith.constant 1 : i32
    %while3A_163 = scf.for %while3A_166 = %while3A_154 to %while3A_161 step %while3A_162 iter_args(%while3A_167 = %while3A_155) -> (i32)  : i32 {
      %mul3A_168 = arith.constant 128 : i32
      %mul3A_169 = arith.muli %while3A_166, %mul3A_168 : i32
      %add3A_170 = arith.constant 0 : i32
      %add3A_171 = arith.addi %mul3A_169, %add3A_170 : i32
      %get3A = arith.index_cast %add3A_171 : i32 to index
      %get3A_172 = tpu.vector_load %arg7[%get3A] {strides = array<i32>} : memref<16384xi32, #tpu.memory_space<vmem>>, vector<16xi32>,
      %swap3A = arith.constant 0 : index
      %swap3A_173 = tpu.vector_load %arg12[%swap3A] {strides = array<i32>} : memref<128xi32, #tpu.memory_space<vmem>>, vector<16xi32>,
      tpu.vector_store %arg12[%swap3A], %get3A_172 {strides = array<i32>} : memref<128xi32, #tpu.memory_space<vmem>>, vector<16xi32>,
      %add3A_174 = arith.constant 0 : i32
      %add3A_175 = arith.addi %mul3A_169, %add3A_174 : i32
      %get3A_176 = arith.index_cast %add3A_175 : i32 to index
      %get3A_177 = tpu.vector_load %arg8[%get3A_176] {strides = array<i32>} : memref<16384xi32, #tpu.memory_space<vmem>>, vector<16xi32>,
      %swap3A_178 = arith.constant 0 : index
      %swap3A_179 = tpu.vector_load %arg13[%swap3A_178] {strides = array<i32>} : memref<128xi32, #tpu.memory_space<vmem>>, vector<16xi32>,
      tpu.vector_store %arg13[%swap3A_178], %get3A_177 {strides = array<i32>} : memref<128xi32, #tpu.memory_space<vmem>>, vector<16xi32>,
      %add3A_180 = arith.constant 16 : i32
      %add3A_181 = arith.addi %mul3A_169, %add3A_180 : i32
      %get3A_182 = arith.index_cast %add3A_181 : i32 to index
      %get3A_183 = tpu.vector_load %arg7[%get3A_182] {strides = array<i32>} : memref<16384xi32, #tpu.memory_space<vmem>>, vector<16xi32>,
      %swap3A_184 = arith.constant 16 : index
      %swap3A_185 = tpu.vector_load %arg12[%swap3A_184] {strides = array<i32>} : memref<128xi32, #tpu.memory_space<vmem>>, vector<16xi32>,
      tpu.vector_store %arg12[%swap3A_184], %get3A_183 {strides = array<i32>} : memref<128xi32, #tpu.memory_space<vmem>>, vector<16xi32>,
      %add3A_186 = arith.constant 16 : i32
      %add3A_187 = arith.addi %mul3A_169, %add3A_186 : i32
      %get3A_188 = arith.index_cast %add3A_187 : i32 to index
      %get3A_189 = tpu.vector_load %arg8[%get3A_188] {strides = array<i32>} : memref<16384xi32, #tpu.memory_space<vmem>>, vector<16xi32>,
      %swap3A_190 = arith.constant 16 : index
      %swap3A_191 = tpu.vector_load %arg13[%swap3A_190] {strides = array<i32>} : memref<128xi32, #tpu.memory_space<vmem>>, vector<16xi32>,
      tpu.vector_store %arg13[%swap3A_190], %get3A_189 {strides = array<i32>} : memref<128xi32, #tpu.memory_space<vmem>>, vector<16xi32>,
      %add3A_192 = arith.constant 32 : i32
      %add3A_193 = arith.addi %mul3A_169, %add3A_192 : i32
      %get3A_194 = arith.index_cast %add3A_193 : i32 to index
      %get3A_195 = tpu.vector_load %arg7[%get3A_194] {strides = array<i32>} : memref<16384xi32, #tpu.memory_space<vmem>>, vector<16xi32>,
      %swap3A_196 = arith.constant 32 : index
      %swap3A_197 = tpu.vector_load %arg12[%swap3A_196] {strides = array<i32>} : memref<128xi32, #tpu.memory_space<vmem>>, vector<16xi32>,
      tpu.vector_store %arg12[%swap3A_196], %get3A_195 {strides = array<i32>} : memref<128xi32, #tpu.memory_space<vmem>>, vector<16xi32>,
      %add3A_198 = arith.constant 32 : i32
      %add3A_199 = arith.addi %mul3A_169, %add3A_198 : i32
      %get3A_200 = arith.index_cast %add3A_199 : i32 to index
      %get3A_201 = tpu.vector_load %arg8[%get3A_200] {strides = array<i32>} : memref<16384xi32, #tpu.memory_space<vmem>>, vector<16xi32>,
      %swap3A_202 = arith.constant 32 : index
      %swap3A_203 = tpu.vector_load %arg13[%swap3A_202] {strides = array<i32>} : memref<128xi32, #tpu.memory_space<vmem>>, vector<16xi32>,
      tpu.vector_store %arg13[%swap3A_202], %get3A_201 {strides = array<i32>} : memref<128xi32, #tpu.memory_space<vmem>>, vector<16xi32>,
      %add3A_204 = arith.constant 48 : i32
      %add3A_205 = arith.addi %mul3A_169, %add3A_204 : i32
      %get3A_206 = arith.index_cast %add3A_205 : i32 to index
      %get3A_207 = tpu.vector_load %arg7[%get3A_206] {strides = array<i32>} : memref<16384xi32, #tpu.memory_space<vmem>>, vector<16xi32>,
      %swap3A_208 = arith.constant 48 : index
      %swap3A_209 = tpu.vector_load %arg12[%swap3A_208] {strides = array<i32>} : memref<128xi32, #tpu.memory_space<vmem>>, vector<16xi32>,
      tpu.vector_store %arg12[%swap3A_208], %get3A_207 {strides = array<i32>} : memref<128xi32, #tpu.memory_space<vmem>>, vector<16xi32>,
      %add3A_210 = arith.constant 48 : i32
      %add3A_211 = arith.addi %mul3A_169, %add3A_210 : i32
      %get3A_212 = arith.index_cast %add3A_211 : i32 to index
      %get3A_213 = tpu.vector_load %arg8[%get3A_212] {strides = array<i32>} : memref<16384xi32, #tpu.memory_space<vmem>>, vector<16xi32>,
      %swap3A_214 = arith.constant 48 : index
      %swap3A_215 = tpu.vector_load %arg13[%swap3A_214] {strides = array<i32>} : memref<128xi32, #tpu.memory_space<vmem>>, vector<16xi32>,
      tpu.vector_store %arg13[%swap3A_214], %get3A_213 {strides = array<i32>} : memref<128xi32, #tpu.memory_space<vmem>>, vector<16xi32>,
      %add3A_216 = arith.constant 64 : i32
      %add3A_217 = arith.addi %mul3A_169, %add3A_216 : i32
      %get3A_218 = arith.index_cast %add3A_217 : i32 to index
      %get3A_219 = tpu.vector_load %arg7[%get3A_218] {strides = array<i32>} : memref<16384xi32, #tpu.memory_space<vmem>>, vector<16xi32>,
      %swap3A_220 = arith.constant 64 : index
      %swap3A_221 = tpu.vector_load %arg12[%swap3A_220] {strides = array<i32>} : memref<128xi32, #tpu.memory_space<vmem>>, vector<16xi32>,
      tpu.vector_store %arg12[%swap3A_220], %get3A_219 {strides = array<i32>} : memref<128xi32, #tpu.memory_space<vmem>>, vector<16xi32>,
      %add3A_222 = arith.constant 64 : i32
      %add3A_223 = arith.addi %mul3A_169, %add3A_222 : i32
      %get3A_224 = arith.index_cast %add3A_223 : i32 to index
      %get3A_225 = tpu.vector_load %arg8[%get3A_224] {strides = array<i32>} : memref<16384xi32, #tpu.memory_space<vmem>>, vector<16xi32>,
      %swap3A_226 = arith.constant 64 : index
      %swap3A_227 = tpu.vector_load %arg13[%swap3A_226] {strides = array<i32>} : memref<128xi32, #tpu.memory_space<vmem>>, vector<16xi32>,
      tpu.vector_store %arg13[%swap3A_226], %get3A_225 {strides = array<i32>} : memref<128xi32, #tpu.memory_space<vmem>>, vector<16xi32>,
      %add3A_228 = arith.constant 80 : i32
      %add3A_229 = arith.addi %mul3A_169, %add3A_228 : i32
      %get3A_230 = arith.index_cast %add3A_229 : i32 to index
      %get3A_231 = tpu.vector_load %arg7[%get3A_230] {strides = array<i32>} : memref<16384xi32, #tpu.memory_space<vmem>>, vector<16xi32>,
      %swap3A_232 = arith.constant 80 : index
      %swap3A_233 = tpu.vector_load %arg12[%swap3A_232] {strides = array<i32>} : memref<128xi32, #tpu.memory_space<vmem>>, vector<16xi32>,
      tpu.vector_store %arg12[%swap3A_232], %get3A_231 {strides = array<i32>} : memref<128xi32, #tpu.memory_space<vmem>>, vector<16xi32>,
      %add3A_234 = arith.constant 80 : i32
      %add3A_235 = arith.addi %mul3A_169, %add3A_234 : i32
      %get3A_236 = arith.index_cast %add3A_235 : i32 to index
      %get3A_237 = tpu.vector_load %arg8[%get3A_236] {strides = array<i32>} : memref<16384xi32, #tpu.memory_space<vmem>>, vector<16xi32>,
      %swap3A_238 = arith.constant 80 : index
      %swap3A_239 = tpu.vector_load %arg13[%swap3A_238] {strides = array<i32>} : memref<128xi32, #tpu.memory_space<vmem>>, vector<16xi32>,
      tpu.vector_store %arg13[%swap3A_238], %get3A_237 {strides = array<i32>} : memref<128xi32, #tpu.memory_space<vmem>>, vector<16xi32>,
      %add3A_240 = arith.constant 96 : i32
      %add3A_241 = arith.addi %mul3A_169, %add3A_240 : i32
      %get3A_242 = arith.index_cast %add3A_241 : i32 to index
      %get3A_243 = tpu.vector_load %arg7[%get3A_242] {strides = array<i32>} : memref<16384xi32, #tpu.memory_space<vmem>>, vector<16xi32>,
      %swap3A_244 = arith.constant 96 : index
      %swap3A_245 = tpu.vector_load %arg12[%swap3A_244] {strides = array<i32>} : memref<128xi32, #tpu.memory_space<vmem>>, vector<16xi32>,
      tpu.vector_store %arg12[%swap3A_244], %get3A_243 {strides = array<i32>} : memref<128xi32, #tpu.memory_space<vmem>>, vector<16xi32>,
      %add3A_246 = arith.constant 96 : i32
      %add3A_247 = arith.addi %mul3A_169, %add3A_246 : i32
      %get3A_248 = arith.index_cast %add3A_247 : i32 to index
      %get3A_249 = tpu.vector_load %arg8[%get3A_248] {strides = array<i32>} : memref<16384xi32, #tpu.memory_space<vmem>>, vector<16xi32>,
      %swap3A_250 = arith.constant 96 : index
      %swap3A_251 = tpu.vector_load %arg13[%swap3A_250] {strides = array<i32>} : memref<128xi32, #tpu.memory_space<vmem>>, vector<16xi32>,
      tpu.vector_store %arg13[%swap3A_250], %get3A_249 {strides = array<i32>} : memref<128xi32, #tpu.memory_space<vmem>>, vector<16xi32>,
      %add3A_252 = arith.constant 112 : i32
      %add3A_253 = arith.addi %mul3A_169, %add3A_252 : i32
      %get3A_254 = arith.index_cast %add3A_253 : i32 to index
      %get3A_255 = tpu.vector_load %arg7[%get3A_254] {strides = array<i32>} : memref<16384xi32, #tpu.memory_space<vmem>>, vector<16xi32>,
      %swap3A_256 = arith.constant 112 : index
      %swap3A_257 = tpu.vector_load %arg12[%swap3A_256] {strides = array<i32>} : memref<128xi32, #tpu.memory_space<vmem>>, vector<16xi32>,
      tpu.vector_store %arg12[%swap3A_256], %get3A_255 {strides = array<i32>} : memref<128xi32, #tpu.memory_space<vmem>>, vector<16xi32>,
      %add3A_258 = arith.constant 112 : i32
      %add3A_259 = arith.addi %mul3A_169, %add3A_258 : i32
      %get3A_260 = arith.index_cast %add3A_259 : i32 to index
      %get3A_261 = tpu.vector_load %arg8[%get3A_260] {strides = array<i32>} : memref<16384xi32, #tpu.memory_space<vmem>>, vector<16xi32>,
      %swap3A_262 = arith.constant 112 : index
      %swap3A_263 = tpu.vector_load %arg13[%swap3A_262] {strides = array<i32>} : memref<128xi32, #tpu.memory_space<vmem>>, vector<16xi32>,
      tpu.vector_store %arg13[%swap3A_262], %get3A_261 {strides = array<i32>} : memref<128xi32, #tpu.memory_space<vmem>>, vector<16xi32>,
      %dma_start3A_264 = arith.constant 0 : i32
      %dma_start3A_265 = arith.constant 0 : i32
      %dma_start3A_266 = tpu.memref_slice %arg4[%dma_start3A_264, %dma_start3A_265] : memref<16384x64xf32, #tpu.memory_space<hbm>> -> memref<16384x64xf32, #tpu.memory_space<hbm>>
      tpu.enqueue_indirect_dma source(%dma_start3A_266 : memref<16384x64xf32, #tpu.memory_space<hbm>>) target(%arg14 : memref<128x64xf32, #tpu.memory_space<vmem>>) offsets(%arg13 : memref<128xi32, #tpu.memory_space<vmem>>) semaphore(%arg19 : memref<!tpu.dma_semaphore, #tpu.memory_space<semaphore_mem>>)
      %dma_wait3A_267 = arith.constant 0 : i32
      %dma_wait3A_268 = arith.constant 0 : i32
      %dma_wait3A_269 = tpu.memref_slice %arg4[%dma_wait3A_267, %dma_wait3A_268] : memref<16384x64xf32, #tpu.memory_space<hbm>> -> memref<16384x64xf32, #tpu.memory_space<hbm>>
      tpu.wait_indirect_dma semaphore(%arg19 : memref<!tpu.dma_semaphore, #tpu.memory_space<semaphore_mem>>) src(%dma_wait3A_269 : memref<16384x64xf32, #tpu.memory_space<hbm>>) dst(%arg14 : memref<128x64xf32, #tpu.memory_space<vmem>>)
      %dma_start3A_270 = arith.constant 0 : i32
      %dma_start3A_271 = arith.constant 0 : i32
      %dma_start3A_272 = tpu.memref_slice %arg5[%dma_start3A_270, %dma_start3A_271] : memref<1000000x64xf32, #tpu.memory_space<hbm>> -> memref<1000000x64xf32, #tpu.memory_space<hbm>>
      tpu.enqueue_indirect_dma source(%arg14 : memref<128x64xf32, #tpu.memory_space<vmem>>) target(%dma_start3A_272 : memref<1000000x64xf32, #tpu.memory_space<hbm>>) offsets(%arg12 : memref<128xi32, #tpu.memory_space<vmem>>) semaphore(%arg19 : memref<!tpu.dma_semaphore, #tpu.memory_space<semaphore_mem>>)
      %dma_wait3A_273 = arith.constant 0 : i32
      %dma_wait3A_274 = arith.constant 0 : i32
      %dma_wait3A_275 = tpu.memref_slice %arg5[%dma_wait3A_273, %dma_wait3A_274] : memref<1000000x64xf32, #tpu.memory_space<hbm>> -> memref<1000000x64xf32, #tpu.memory_space<hbm>>
      tpu.wait_indirect_dma semaphore(%arg19 : memref<!tpu.dma_semaphore, #tpu.memory_space<semaphore_mem>>) src(%arg14 : memref<128x64xf32, #tpu.memory_space<vmem>>) dst(%dma_wait3A_275 : memref<1000000x64xf32, #tpu.memory_space<hbm>>)
      %while3A_276 = arith.constant 0 : i32
      scf.yield %while3A_276 : i32
    }
    %while3A_164 = arith.constant 1 : i32
    %while3A_165 = scf.for %while3A_166 = %while3A_161 to %while3A_157 step %while3A_164 iter_args(%while3A_167 = %while3A_163) -> (i32)  : i32 {
      %mul3A_168 = arith.constant 128 : i32
      %mul3A_169 = arith.muli %while3A_166, %mul3A_168 : i32
      %add3A_170 = arith.constant 0 : i32
      %add3A_171 = arith.addi %mul3A_169, %add3A_170 : i32
      %get3A = arith.index_cast %add3A_171 : i32 to index
      %get3A_172 = tpu.vector_load %arg7[%get3A] {strides = array<i32>} : memref<16384xi32, #tpu.memory_space<vmem>>, vector<16xi32>,
      %swap3A = arith.constant 0 : index
      %swap3A_173 = tpu.vector_load %arg12[%swap3A] {strides = array<i32>} : memref<128xi32, #tpu.memory_space<vmem>>, vector<16xi32>,
      tpu.vector_store %arg12[%swap3A], %get3A_172 {strides = array<i32>} : memref<128xi32, #tpu.memory_space<vmem>>, vector<16xi32>,
      %add3A_174 = arith.constant 0 : i32
      %add3A_175 = arith.addi %mul3A_169, %add3A_174 : i32
      %get3A_176 = arith.index_cast %add3A_175 : i32 to index
      %get3A_177 = tpu.vector_load %arg8[%get3A_176] {strides = array<i32>} : memref<16384xi32, #tpu.memory_space<vmem>>, vector<16xi32>,
      %swap3A_178 = arith.constant 0 : index
      %swap3A_179 = tpu.vector_load %arg13[%swap3A_178] {strides = array<i32>} : memref<128xi32, #tpu.memory_space<vmem>>, vector<16xi32>,
      tpu.vector_store %arg13[%swap3A_178], %get3A_177 {strides = array<i32>} : memref<128xi32, #tpu.memory_space<vmem>>, vector<16xi32>,
      %add3A_180 = arith.constant 16 : i32
      %add3A_181 = arith.addi %mul3A_169, %add3A_180 : i32
      %get3A_182 = arith.index_cast %add3A_181 : i32 to index
      %get3A_183 = tpu.vector_load %arg7[%get3A_182] {strides = array<i32>} : memref<16384xi32, #tpu.memory_space<vmem>>, vector<16xi32>,
      %swap3A_184 = arith.constant 16 : index
      %swap3A_185 = tpu.vector_load %arg12[%swap3A_184] {strides = array<i32>} : memref<128xi32, #tpu.memory_space<vmem>>, vector<16xi32>,
      tpu.vector_store %arg12[%swap3A_184], %get3A_183 {strides = array<i32>} : memref<128xi32, #tpu.memory_space<vmem>>, vector<16xi32>,
      %add3A_186 = arith.constant 16 : i32
      %add3A_187 = arith.addi %mul3A_169, %add3A_186 : i32
      %get3A_188 = arith.index_cast %add3A_187 : i32 to index
      %get3A_189 = tpu.vector_load %arg8[%get3A_188] {strides = array<i32>} : memref<16384xi32, #tpu.memory_space<vmem>>, vector<16xi32>,
      %swap3A_190 = arith.constant 16 : index
      %swap3A_191 = tpu.vector_load %arg13[%swap3A_190] {strides = array<i32>} : memref<128xi32, #tpu.memory_space<vmem>>, vector<16xi32>,
      tpu.vector_store %arg13[%swap3A_190], %get3A_189 {strides = array<i32>} : memref<128xi32, #tpu.memory_space<vmem>>, vector<16xi32>,
      %add3A_192 = arith.constant 32 : i32
      %add3A_193 = arith.addi %mul3A_169, %add3A_192 : i32
      %get3A_194 = arith.index_cast %add3A_193 : i32 to index
      %get3A_195 = tpu.vector_load %arg7[%get3A_194] {strides = array<i32>} : memref<16384xi32, #tpu.memory_space<vmem>>, vector<16xi32>,
      %swap3A_196 = arith.constant 32 : index
      %swap3A_197 = tpu.vector_load %arg12[%swap3A_196] {strides = array<i32>} : memref<128xi32, #tpu.memory_space<vmem>>, vector<16xi32>,
      tpu.vector_store %arg12[%swap3A_196], %get3A_195 {strides = array<i32>} : memref<128xi32, #tpu.memory_space<vmem>>, vector<16xi32>,
      %add3A_198 = arith.constant 32 : i32
      %add3A_199 = arith.addi %mul3A_169, %add3A_198 : i32
      %get3A_200 = arith.index_cast %add3A_199 : i32 to index
      %get3A_201 = tpu.vector_load %arg8[%get3A_200] {strides = array<i32>} : memref<16384xi32, #tpu.memory_space<vmem>>, vector<16xi32>,
      %swap3A_202 = arith.constant 32 : index
      %swap3A_203 = tpu.vector_load %arg13[%swap3A_202] {strides = array<i32>} : memref<128xi32, #tpu.memory_space<vmem>>, vector<16xi32>,
      tpu.vector_store %arg13[%swap3A_202], %get3A_201 {strides = array<i32>} : memref<128xi32, #tpu.memory_space<vmem>>, vector<16xi32>,
      %add3A_204 = arith.constant 48 : i32
      %add3A_205 = arith.addi %mul3A_169, %add3A_204 : i32
      %get3A_206 = arith.index_cast %add3A_205 : i32 to index
      %get3A_207 = tpu.vector_load %arg7[%get3A_206] {strides = array<i32>} : memref<16384xi32, #tpu.memory_space<vmem>>, vector<16xi32>,
      %swap3A_208 = arith.constant 48 : index
      %swap3A_209 = tpu.vector_load %arg12[%swap3A_208] {strides = array<i32>} : memref<128xi32, #tpu.memory_space<vmem>>, vector<16xi32>,
      tpu.vector_store %arg12[%swap3A_208], %get3A_207 {strides = array<i32>} : memref<128xi32, #tpu.memory_space<vmem>>, vector<16xi32>,
      %add3A_210 = arith.constant 48 : i32
      %add3A_211 = arith.addi %mul3A_169, %add3A_210 : i32
      %get3A_212 = arith.index_cast %add3A_211 : i32 to index
      %get3A_213 = tpu.vector_load %arg8[%get3A_212] {strides = array<i32>} : memref<16384xi32, #tpu.memory_space<vmem>>, vector<16xi32>,
      %swap3A_214 = arith.constant 48 : index
      %swap3A_215 = tpu.vector_load %arg13[%swap3A_214] {strides = array<i32>} : memref<128xi32, #tpu.memory_space<vmem>>, vector<16xi32>,
      tpu.vector_store %arg13[%swap3A_214], %get3A_213 {strides = array<i32>} : memref<128xi32, #tpu.memory_space<vmem>>, vector<16xi32>,
      %add3A_216 = arith.constant 64 : i32
      %add3A_217 = arith.addi %mul3A_169, %add3A_216 : i32
      %get3A_218 = arith.index_cast %add3A_217 : i32 to index
      %get3A_219 = tpu.vector_load %arg7[%get3A_218] {strides = array<i32>} : memref<16384xi32, #tpu.memory_space<vmem>>, vector<16xi32>,
      %swap3A_220 = arith.constant 64 : index
      %swap3A_221 = tpu.vector_load %arg12[%swap3A_220] {strides = array<i32>} : memref<128xi32, #tpu.memory_space<vmem>>, vector<16xi32>,
      tpu.vector_store %arg12[%swap3A_220], %get3A_219 {strides = array<i32>} : memref<128xi32, #tpu.memory_space<vmem>>, vector<16xi32>,
      %add3A_222 = arith.constant 64 : i32
      %add3A_223 = arith.addi %mul3A_169, %add3A_222 : i32
      %get3A_224 = arith.index_cast %add3A_223 : i32 to index
      %get3A_225 = tpu.vector_load %arg8[%get3A_224] {strides = array<i32>} : memref<16384xi32, #tpu.memory_space<vmem>>, vector<16xi32>,
      %swap3A_226 = arith.constant 64 : index
      %swap3A_227 = tpu.vector_load %arg13[%swap3A_226] {strides = array<i32>} : memref<128xi32, #tpu.memory_space<vmem>>, vector<16xi32>,
      tpu.vector_store %arg13[%swap3A_226], %get3A_225 {strides = array<i32>} : memref<128xi32, #tpu.memory_space<vmem>>, vector<16xi32>,
      %add3A_228 = arith.constant 80 : i32
      %add3A_229 = arith.addi %mul3A_169, %add3A_228 : i32
      %get3A_230 = arith.index_cast %add3A_229 : i32 to index
      %get3A_231 = tpu.vector_load %arg7[%get3A_230] {strides = array<i32>} : memref<16384xi32, #tpu.memory_space<vmem>>, vector<16xi32>,
      %swap3A_232 = arith.constant 80 : index
      %swap3A_233 = tpu.vector_load %arg12[%swap3A_232] {strides = array<i32>} : memref<128xi32, #tpu.memory_space<vmem>>, vector<16xi32>,
      tpu.vector_store %arg12[%swap3A_232], %get3A_231 {strides = array<i32>} : memref<128xi32, #tpu.memory_space<vmem>>, vector<16xi32>,
      %add3A_234 = arith.constant 80 : i32
      %add3A_235 = arith.addi %mul3A_169, %add3A_234 : i32
      %get3A_236 = arith.index_cast %add3A_235 : i32 to index
      %get3A_237 = tpu.vector_load %arg8[%get3A_236] {strides = array<i32>} : memref<16384xi32, #tpu.memory_space<vmem>>, vector<16xi32>,
      %swap3A_238 = arith.constant 80 : index
      %swap3A_239 = tpu.vector_load %arg13[%swap3A_238] {strides = array<i32>} : memref<128xi32, #tpu.memory_space<vmem>>, vector<16xi32>,
      tpu.vector_store %arg13[%swap3A_238], %get3A_237 {strides = array<i32>} : memref<128xi32, #tpu.memory_space<vmem>>, vector<16xi32>,
      %add3A_240 = arith.constant 96 : i32
      %add3A_241 = arith.addi %mul3A_169, %add3A_240 : i32
      %get3A_242 = arith.index_cast %add3A_241 : i32 to index
      %get3A_243 = tpu.vector_load %arg7[%get3A_242] {strides = array<i32>} : memref<16384xi32, #tpu.memory_space<vmem>>, vector<16xi32>,
      %swap3A_244 = arith.constant 96 : index
      %swap3A_245 = tpu.vector_load %arg12[%swap3A_244] {strides = array<i32>} : memref<128xi32, #tpu.memory_space<vmem>>, vector<16xi32>,
      tpu.vector_store %arg12[%swap3A_244], %get3A_243 {strides = array<i32>} : memref<128xi32, #tpu.memory_space<vmem>>, vector<16xi32>,
      %add3A_246 = arith.constant 96 : i32
      %add3A_247 = arith.addi %mul3A_169, %add3A_246 : i32
      %get3A_248 = arith.index_cast %add3A_247 : i32 to index
      %get3A_249 = tpu.vector_load %arg8[%get3A_248] {strides = array<i32>} : memref<16384xi32, #tpu.memory_space<vmem>>, vector<16xi32>,
      %swap3A_250 = arith.constant 96 : index
      %swap3A_251 = tpu.vector_load %arg13[%swap3A_250] {strides = array<i32>} : memref<128xi32, #tpu.memory_space<vmem>>, vector<16xi32>,
      tpu.vector_store %arg13[%swap3A_250], %get3A_249 {strides = array<i32>} : memref<128xi32, #tpu.memory_space<vmem>>, vector<16xi32>,
      %add3A_252 = arith.constant 112 : i32
      %add3A_253 = arith.addi %mul3A_169, %add3A_252 : i32
      %get3A_254 = arith.index_cast %add3A_253 : i32 to index
      %get3A_255 = tpu.vector_load %arg7[%get3A_254] {strides = array<i32>} : memref<16384xi32, #tpu.memory_space<vmem>>, vector<16xi32>,
      %swap3A_256 = arith.constant 112 : index
      %swap3A_257 = tpu.vector_load %arg12[%swap3A_256] {strides = array<i32>} : memref<128xi32, #tpu.memory_space<vmem>>, vector<16xi32>,
      tpu.vector_store %arg12[%swap3A_256], %get3A_255 {strides = array<i32>} : memref<128xi32, #tpu.memory_space<vmem>>, vector<16xi32>,
      %add3A_258 = arith.constant 112 : i32
      %add3A_259 = arith.addi %mul3A_169, %add3A_258 : i32
      %get3A_260 = arith.index_cast %add3A_259 : i32 to index
      %get3A_261 = tpu.vector_load %arg8[%get3A_260] {strides = array<i32>} : memref<16384xi32, #tpu.memory_space<vmem>>, vector<16xi32>,
      %swap3A_262 = arith.constant 112 : index
      %swap3A_263 = tpu.vector_load %arg13[%swap3A_262] {strides = array<i32>} : memref<128xi32, #tpu.memory_space<vmem>>, vector<16xi32>,
      tpu.vector_store %arg13[%swap3A_262], %get3A_261 {strides = array<i32>} : memref<128xi32, #tpu.memory_space<vmem>>, vector<16xi32>,
      %dma_start3A_264 = arith.constant 0 : i32
      %dma_start3A_265 = arith.constant 0 : i32
      %dma_start3A_266 = tpu.memref_slice %arg4[%dma_start3A_264, %dma_start3A_265] : memref<16384x64xf32, #tpu.memory_space<hbm>> -> memref<16384x64xf32, #tpu.memory_space<hbm>>
      tpu.enqueue_indirect_dma source(%dma_start3A_266 : memref<16384x64xf32, #tpu.memory_space<hbm>>) target(%arg14 : memref<128x64xf32, #tpu.memory_space<vmem>>) offsets(%arg13 : memref<128xi32, #tpu.memory_space<vmem>>) semaphore(%arg19 : memref<!tpu.dma_semaphore, #tpu.memory_space<semaphore_mem>>)
      %dma_wait3A_267 = arith.constant 0 : i32
      %dma_wait3A_268 = arith.constant 0 : i32
      %dma_wait3A_269 = tpu.memref_slice %arg4[%dma_wait3A_267, %dma_wait3A_268] : memref<16384x64xf32, #tpu.memory_space<hbm>> -> memref<16384x64xf32, #tpu.memory_space<hbm>>
      tpu.wait_indirect_dma semaphore(%arg19 : memref<!tpu.dma_semaphore, #tpu.memory_space<semaphore_mem>>) src(%dma_wait3A_269 : memref<16384x64xf32, #tpu.memory_space<hbm>>) dst(%arg14 : memref<128x64xf32, #tpu.memory_space<vmem>>)
      %dma_start3A_270 = arith.constant 0 : i32
      %dma_start3A_271 = arith.constant 0 : i32
      %dma_start3A_272 = tpu.memref_slice %arg5[%dma_start3A_270, %dma_start3A_271] : memref<1000000x64xf32, #tpu.memory_space<hbm>> -> memref<1000000x64xf32, #tpu.memory_space<hbm>>
      tpu.enqueue_indirect_dma source(%arg14 : memref<128x64xf32, #tpu.memory_space<vmem>>) target(%dma_start3A_272 : memref<1000000x64xf32, #tpu.memory_space<hbm>>) offsets(%arg12 : memref<128xi32, #tpu.memory_space<vmem>>) semaphore(%arg19 : memref<!tpu.dma_semaphore, #tpu.memory_space<semaphore_mem>>)
      %dma_wait3A_273 = arith.constant 0 : i32
      %dma_wait3A_274 = arith.constant 0 : i32
      %dma_wait3A_275 = tpu.memref_slice %arg5[%dma_wait3A_273, %dma_wait3A_274] : memref<1000000x64xf32, #tpu.memory_space<hbm>> -> memref<1000000x64xf32, #tpu.memory_space<hbm>>
      tpu.wait_indirect_dma semaphore(%arg19 : memref<!tpu.dma_semaphore, #tpu.memory_space<semaphore_mem>>) src(%arg14 : memref<128x64xf32, #tpu.memory_space<vmem>>) dst(%dma_wait3A_275 : memref<1000000x64xf32, #tpu.memory_space<hbm>>)
      %while3A_276 = arith.constant 0 : i32
      scf.yield %while3A_276 : i32
    }
    return
  }
}

module attributes {stable_mosaic.version = 14 : i64} {
  func.func @_gru_body(%arg0: i32, %arg1: memref<1024x64xf32, #tpu.memory_space<vmem>>, %arg2: memref<1024x64xf32, #tpu.memory_space<vmem>>, %arg3: memref<64x192xf32, #tpu.memory_space<vmem>>, %arg4: memref<64x192xf32, #tpu.memory_space<vmem>>, %arg5: memref<1x192xf32, #tpu.memory_space<vmem>>, %arg6: memref<1x192xf32, #tpu.memory_space<vmem>>, %arg7: memref<1024x64xf32, #tpu.memory_space<vmem>>) attributes {dimension_semantics = [#tpu.dimension_semantics<arbitrary>], iteration_bounds = array<i64: 16>, scalar_prefetch = 0 : i64, scratch_operands = 0 : i64, tpu.core_type = #tpu.core_type<tc>, window_params = [{transform_indices = @transform_0, window_bounds = array<i64: 1024, 64>}, {transform_indices = @transform_1, window_bounds = array<i64: 1024, 64>}, {pipeline_mode = #tpu.pipeline_mode<synchronous>, transform_indices = @transform_2, window_bounds = array<i64: 64, 192>}, {pipeline_mode = #tpu.pipeline_mode<synchronous>, transform_indices = @transform_3, window_bounds = array<i64: 64, 192>}, {pipeline_mode = #tpu.pipeline_mode<synchronous>, transform_indices = @transform_4, window_bounds = array<i64: 1, 192>}, {pipeline_mode = #tpu.pipeline_mode<synchronous>, transform_indices = @transform_5, window_bounds = array<i64: 1, 192>}, {transform_indices = @transform_6, window_bounds = array<i64: 1024, 64>}]} {
    %get3A = arith.constant 0 : index
    %get3A_0 = arith.constant 0 : index
    %get3A_1 = vector.load %arg1[%get3A, %get3A_0] : memref<1024x64xf32, #tpu.memory_space<vmem>>, vector<1024x64xf32>
    %get3A_2 = arith.constant 0 : index
    %get3A_3 = arith.constant 0 : index
    %get3A_4 = vector.load %arg2[%get3A_2, %get3A_3] : memref<1024x64xf32, #tpu.memory_space<vmem>>, vector<1024x64xf32>
    %get3A_5 = arith.constant 0 : index
    %get3A_6 = arith.constant 0 : index
    %get3A_7 = vector.load %arg3[%get3A_5, %get3A_6] : memref<64x192xf32, #tpu.memory_space<vmem>>, vector<64x192xf32>
    %dot_general3A = arith.constant dense<0.000000e+00> : vector<1024x192xf32>
    %dot_general3A_8 = tpu.matmul %get3A_1, %get3A_7, %dot_general3A {dimension_numbers = #tpu.dot_dimension_numbers<[1], [0], [0], [1], [0, 0, 1, 1], [], []>, transpose_lhs_hint = false} : vector<1024x64xf32>, vector<64x192xf32>, vector<1024x192xf32> -> vector<1024x192xf32>
    %get3A_9 = arith.constant 0 : index
    %get3A_10 = arith.constant 0 : index
    %get3A_11 = vector.load %arg5[%get3A_9, %get3A_10] : memref<1x192xf32, #tpu.memory_space<vmem>>, vector<1x192xf32>
    %add3A = vector.broadcast %get3A_11 : vector<1x192xf32> to vector<1024x192xf32>
    %add3A_12 = arith.addf %dot_general3A_8, %add3A : vector<1024x192xf32>
    %get3A_13 = arith.constant 0 : index
    %get3A_14 = arith.constant 0 : index
    %get3A_15 = vector.load %arg4[%get3A_13, %get3A_14] : memref<64x192xf32, #tpu.memory_space<vmem>>, vector<64x192xf32>
    %dot_general3A_16 = arith.constant dense<0.000000e+00> : vector<1024x192xf32>
    %dot_general3A_17 = tpu.matmul %get3A_4, %get3A_15, %dot_general3A_16 {dimension_numbers = #tpu.dot_dimension_numbers<[1], [0], [0], [1], [0, 0, 1, 1], [], []>, transpose_lhs_hint = false} : vector<1024x64xf32>, vector<64x192xf32>, vector<1024x192xf32> -> vector<1024x192xf32>
    %get3A_18 = arith.constant 0 : index
    %get3A_19 = arith.constant 0 : index
    %get3A_20 = vector.load %arg6[%get3A_18, %get3A_19] : memref<1x192xf32, #tpu.memory_space<vmem>>, vector<1x192xf32>
    %add3A_21 = vector.broadcast %get3A_20 : vector<1x192xf32> to vector<1024x192xf32>
    %add3A_22 = arith.addf %dot_general3A_17, %add3A_21 : vector<1024x192xf32>
    %slice3A = vector.extract_strided_slice %add3A_12 {offsets = [0, 0], sizes = [1024, 64], strides = [1, 1]} : vector<1024x192xf32> to vector<1024x64xf32>
    %slice3A_23 = vector.extract_strided_slice %add3A_22 {offsets = [0, 0], sizes = [1024, 64], strides = [1, 1]} : vector<1024x192xf32> to vector<1024x64xf32>
    %add3A_24 = arith.addf %slice3A, %slice3A_23 : vector<1024x64xf32>
    %logistic3A = arith.negf %add3A_24 : vector<1024x64xf32>
    %logistic3A_25 = math.exp %logistic3A : vector<1024x64xf32>
    %logistic3A_26 = arith.constant 1.000000e+00 : f32
    %logistic3A_27 = vector.broadcast %logistic3A_26 : f32 to vector<1024x64xf32>
    %logistic3A_28 = arith.addf %logistic3A_27, %logistic3A_25 : vector<1024x64xf32>
    %logistic3A_29 = arith.divf %logistic3A_27, %logistic3A_28 : vector<1024x64xf32>
    %slice3A_30 = vector.extract_strided_slice %add3A_12 {offsets = [0, 64], sizes = [1024, 64], strides = [1, 1]} : vector<1024x192xf32> to vector<1024x64xf32>
    %slice3A_31 = vector.extract_strided_slice %add3A_22 {offsets = [0, 64], sizes = [1024, 64], strides = [1, 1]} : vector<1024x192xf32> to vector<1024x64xf32>
    %add3A_32 = arith.addf %slice3A_30, %slice3A_31 : vector<1024x64xf32>
    %logistic3A_33 = arith.negf %add3A_32 : vector<1024x64xf32>
    %logistic3A_34 = math.exp %logistic3A_33 : vector<1024x64xf32>
    %logistic3A_35 = arith.constant 1.000000e+00 : f32
    %logistic3A_36 = vector.broadcast %logistic3A_35 : f32 to vector<1024x64xf32>
    %logistic3A_37 = arith.addf %logistic3A_36, %logistic3A_34 : vector<1024x64xf32>
    %logistic3A_38 = arith.divf %logistic3A_36, %logistic3A_37 : vector<1024x64xf32>
    %slice3A_39 = vector.extract_strided_slice %add3A_12 {offsets = [0, 128], sizes = [1024, 64], strides = [1, 1]} : vector<1024x192xf32> to vector<1024x64xf32>
    %slice3A_40 = vector.extract_strided_slice %add3A_22 {offsets = [0, 128], sizes = [1024, 64], strides = [1, 1]} : vector<1024x192xf32> to vector<1024x64xf32>
    %mul3A = arith.mulf %logistic3A_29, %slice3A_40 : vector<1024x64xf32>
    %add3A_41 = arith.addf %slice3A_39, %mul3A : vector<1024x64xf32>
    %tanh3A = math.tanh %add3A_41 : vector<1024x64xf32>
    %sub3A = arith.constant 1.000000e+00 : f32
    %sub3A_42 = vector.broadcast %sub3A : f32 to vector<1024x64xf32>
    %sub3A_43 = arith.subf %sub3A_42, %logistic3A_38 : vector<1024x64xf32>
    %mul3A_44 = arith.mulf %sub3A_43, %tanh3A : vector<1024x64xf32>
    %mul3A_45 = arith.mulf %logistic3A_38, %get3A_4 : vector<1024x64xf32>
    %add3A_46 = arith.addf %mul3A_44, %mul3A_45 : vector<1024x64xf32>
    %swap3A = arith.constant 0 : index
    %swap3A_47 = arith.constant 0 : index
    %swap3A_48 = vector.load %arg7[%swap3A, %swap3A_47] : memref<1024x64xf32, #tpu.memory_space<vmem>>, vector<1024x64xf32>
    tpu.vector_store %arg7[%swap3A, %swap3A_47], %add3A_46 {strides = array<i32>} : memref<1024x64xf32, #tpu.memory_space<vmem>>, vector<1024x64xf32>,
    return
  }
  func.func @transform_0(%arg0: i32) -> (i32, i32) {
    %c0_i32 = arith.constant 0 : i32
    %c0_i32_0 = arith.constant 0 : i32
    return %arg0, %c0_i32 : i32, i32
  }
  func.func @transform_1(%arg0: i32) -> (i32, i32) {
    %c0_i32 = arith.constant 0 : i32
    %c0_i32_0 = arith.constant 0 : i32
    return %arg0, %c0_i32 : i32, i32
  }
  func.func @transform_2(%arg0: i32) -> (i32, i32) {
    %c0_i32 = arith.constant 0 : i32
    %c0_i32_0 = arith.constant 0 : i32
    %c0_i32_1 = arith.constant 0 : i32
    return %c0_i32, %c0_i32_0 : i32, i32
  }
  func.func @transform_3(%arg0: i32) -> (i32, i32) {
    %c0_i32 = arith.constant 0 : i32
    %c0_i32_0 = arith.constant 0 : i32
    %c0_i32_1 = arith.constant 0 : i32
    return %c0_i32, %c0_i32_0 : i32, i32
  }
  func.func @transform_4(%arg0: i32) -> (i32, i32) {
    %c0_i32 = arith.constant 0 : i32
    %c0_i32_0 = arith.constant 0 : i32
    %c0_i32_1 = arith.constant 0 : i32
    return %c0_i32, %c0_i32_0 : i32, i32
  }
  func.func @transform_5(%arg0: i32) -> (i32, i32) {
    %c0_i32 = arith.constant 0 : i32
    %c0_i32_0 = arith.constant 0 : i32
    %c0_i32_1 = arith.constant 0 : i32
    return %c0_i32, %c0_i32_0 : i32, i32
  }
  func.func @transform_6(%arg0: i32) -> (i32, i32) {
    %c0_i32 = arith.constant 0 : i32
    %c0_i32_0 = arith.constant 0 : i32
    return %arg0, %c0_i32 : i32, i32
  }
}

</mosaic_0001>

<sc_bundles>
// kernel: kernel.5.cloned.1.call-start
scs
__scs_entry_jumppad:
0x0: {  	(pc) =	sbr.rel $0x88, $3  }
0x1: {  	(tag) =	ssettag $0x0;
	lr =	simm.s32 $0x1  }
0x2: {  	[smem:$0x3F9A] =	sst lr;
	_ =	strace $0xD0000000  }
0x3: {  	_ = 	snop  }
0x4: {  	_ = 	snop  }
0x5: {  	_ = 	snop  }
0x6: {  	_ = 	snop  }
0x7: {  	_ = 	snop  }
__scs_overlays_trampoline_lowered:
0x8: {  	[smem:$0x3FA9] =	sst s0  }
0x9: {  	[smem:$0x3FAA] =	sst s1  }
0xa: {  	[smem:$0x3FAB] =	sst s2  }
0xb: {  	[smem:$0x3FAC] =	sst s3  }
0xc: {  	[smem:$0x3FAD] =	sst s4  }
0xd: {  	[smem:$0x3FAE] =	sst s5  }
0xe: {  	[smem:$0x3FAF] =	sst s6  }
0xf: {  	[smem:$0x3FB0] =	sst s7  }
0x10: {  	[smem:$0x3FB1] =	sst s8  }
0x11: {  	[smem:$0x3FB2] =	sst s9;
	s0 =	simm.s32 @!p0 $0x0  }
0x12: {  	s1 =	sld [smem:$0x3F98];
	s0 =	simm.s32 @p0 $0x1  }
0x13: {  	[smem:$0x3FB3] =	sst s0;
	s0 =	simm.s32 @!p1 $0x0  }
0x14: {  	s2 =	sld [smem:$0x3F97];
	s0 =	simm.s32 @p1 $0x1  }
0x15: {  	[smem:$0x3FB4] =	sst s0;
	s0 =	simm.s32 @!p2 $0x0  }
0x16: {  	s3 =	sld [smem:$0x3FDB];
	s0 =	simm.s32 @p2 $0x1  }
0x17: {  	s4 =	simm.s32 $0x1BF5;
	[smem:$0x3FB6] =	sst s0  }
0x18: {  	s0 =	sld [smem:$0x3F99];
	_ =	swait.ge [sflag:s4], $0x0  }
0x19: {  	s7 =	sld [smem:$0x3F9A]  }
0x1a: {  	s8 =	sadd.s32 $0xFFFFE003, lr  }
0x1b: {  	s9 =	sadd.s32 $0xFFFFFEF7, lr;
	s5 =	simm.s32 $0xFFFFFFFF;
	p2 =	slt.u32 s8, $0xFFFFF086  }
0x1c: {  	p1 =	slt.u32 s9, $0xF7A;
	s5 =	simm.s32 @!p2 $0x0  }
0x1d: {  	s5 =	simm.s32 @p1 $0x1;
	p0 =	seq.s32 s7, s2  }
0x1e: {  	s7 =	smul.u32 @!p0 $0xF7A, s2;
	p2 =	seq.s32 @!p0 s5, $0x0  }
0x1f: {  	s9 =	smul.u32 $0xF7A, s1;
	s8 =	simm.s32 @!p0 $0x1BF5;
	p2 =	por !p2, p0  }
0x20: {  	[sflag:s8] =	ssyncset.s32 @!p0 $0xFFFFF086;
	s6 =	sadd.s32 @!p0 s3, s7;
	s7 =	simm.s32 @!p0 $0x108  }
0x21: {  	s3 =	sadd.s32 s3, s9;
	s6 =	sadd.s32 @!p0 $0x88, s6;
	s7 =	simm.s32 @p2 $0x1082  }
0x22: {  	[simem:s7], [sflag:s8] =	dma.local @!p0 [hbm:s6], $0xF7A  }
0x23: {  	s9 =	sor.u32 $0xD0000000, s2;
	s6 =	simm.s32 $0x108;
	_ =	swait.ge @!p0 [sflag:s8], $0x0  }
0x24: {  	s3 =	sadd.s32 $0x88, s3;
	s6 =	simm.s32 @!p1 $0x1082;
	[sflag:s4] =	ssyncset.s32 $0xFFFFF086  }
0x25: {  	[simem:s6], [sflag:s4] =	dma.local [hbm:s3], $0xF7A  }
0x26: {  	[smem:$0x3F9A] =	sst s1;
	(tag) =	ssettag s2;
	_ =	strace s9  }
0x27: {  	s1 =	sld [smem:$0x3FAA]  }
0x28: {  	s2 =	sld [smem:$0x3FAB]  }
0x29: {  	s4 =	sld [smem:$0x3FAD]  }
0x2a: {  	p0 =	seq.s32 s5, $0x0;
	s5 =	sld [smem:$0x3FAE]  }
0x2b: {  	s6 =	sld [smem:$0x3FAF]  }
0x2c: {  	s7 =	sld [smem:$0x3FB0]  }
0x2d: {  	s3 =	simm.s32 $0x108;
	s8 =	sld [smem:$0x3FB1]  }
0x2e: {  	s3 =	simm.s32 @!p0 $0x1082;
	s9 =	sld [smem:$0x3FB2]  }
0x2f: {  	lr =	sadd.s32 s0, s3;
	s0 =	sld [smem:$0x3FA9]  }
0x30: {  	s3 =	sld [smem:$0x3FAC]  }
0x31: {  	[smem:$0x3FB5] =	sst s10  }
0x32: {  	s10 =	sld [smem:$0x3FB3];
	_ =	sdelay $0x3  }
0x33: {  	p0 =	seq.s32 s10, $0x1;
	s10 =	sld [smem:$0x3FB5];
	_ =	sdelay $0x3  }
0x34: {  	[smem:$0x3FB5] =	sst s10  }
0x35: {  	s10 =	sld [smem:$0x3FB4];
	_ =	sdelay $0x3  }
0x36: {  	p1 =	seq.s32 s10, $0x1;
	s10 =	sld [smem:$0x3FB5];
	_ =	sdelay $0x3  }
0x37: {  	[smem:$0x3FB5] =	sst s10  }
0x38: {  	s10 =	sld [smem:$0x3FB6]  }
0x39: {  	_ = 	snop;
	(pc) =	sbr.ind lr, $3  }
0x3a: {  	_ = 	snop  }
0x3b: {  	_ = 	snop  }
0x3c: {  	p2 =	seq.s32 s10, $0x1;
	s10 =	sld [smem:$0x3FB5]  }
0x3d: {  	_ =	shalt  }
0x3e: {  	_ =	shalt  }
0x3f: {  	_ =	shalt  }
0x40: {  	_ =	shalt  }
0x41: {  	_ =	shalt  }
0x42: {  	_ =	shalt  }
0x43: {  	_ =	shalt  }
0x44: {  	_ =	shalt  }
0x45: {  	_ =	shalt  }
0x46: {  	_ =	shalt  }
0x47: {  	_ =	shalt  }
0x48: {  	_ =	shalt  }
0x49: {  	_ =	shalt  }
0x4a: {  	_ =	shalt  }
0x4b: {  	_ =	shalt  }
0x4c: {  	_ =	shalt  }
0x4d: {  	_ =	shalt  }
0x4e: {  	_ =	shalt  }
0x4f: {  	_ =	shalt  }
0x50: {  	_ =	shalt  }
0x51: {  	_ =	shalt  }
0x52: {  	_ =	shalt  }
0x53: {  	_ =	shalt  }
0x54: {  	_ =	shalt  }
0x55: {  	_ =	shalt  }
0x56: {  	_ =	shalt  }
0x57: {  	_ =	shalt  }
0x58: {  	_ =	shalt  }
0x59: {  	_ =	shalt  }
0x5a: {  	_ =	shalt  }
0x5b: {  	_ =	shalt  }
0x5c: {  	_ =	shalt  }
0x5d: {  	_ =	shalt  }
0x5e: {  	_ =	shalt  }
0x5f: {  	_ =	shalt  }
0x60: {  	_ =	shalt  }
0x61: {  	_ =	shalt  }
0x62: {  	_ =	shalt  }
0x63: {  	_ =	shalt  }
0x64: {  	_ =	shalt  }
0x65: {  	_ =	shalt  }
0x66: {  	_ =	shalt  }
0x67: {  	_ =	shalt  }
0x68: {  	_ =	shalt  }
0x69: {  	_ =	shalt  }
0x6a: {  	_ =	shalt  }
0x6b: {  	_ =	shalt  }
0x6c: {  	_ =	shalt  }
0x6d: {  	_ =	shalt  }
0x6e: {  	_ =	shalt  }
0x6f: {  	_ =	shalt  }
0x70: {  	_ =	shalt  }
0x71: {  	_ =	shalt  }
0x72: {  	_ =	shalt  }
0x73: {  	_ =	shalt  }
0x74: {  	_ =	shalt  }
0x75: {  	_ =	shalt  }
0x76: {  	_ =	shalt  }
0x77: {  	_ =	shalt  }
0x78: {  	_ =	shalt  }
0x79: {  	_ =	shalt  }
0x7a: {  	_ =	shalt  }
0x7b: {  	_ =	shalt  }
0x7c: {  	_ =	shalt  }
0x7d: {  	_ =	shalt  }
0x7e: {  	_ =	shalt  }
0x7f: {  	_ =	shalt  }
0x80: {  	_ =	shalt  }
0x81: {  	_ =	shalt  }
0x82: {  	_ =	shalt  }
0x83: {  	_ =	shalt  }
0x84: {  	_ =	shalt  }
0x85: {  	_ =	shalt  }
0x86: {  	_ =	shalt  }
0x87: {  	_ =	shalt  }
.Lfunc_end0:
.L_simem_size_0:
called_computation.1_lowered:
.L_overlay_start_0:
0x88: {  	s2 =	sld [smem:$0x3FD9]  }
0x89: {  	s3 =	sld [smem:$0x3FFE];
	_ =	sdelay $0x1  }
0x8a: {  	s1 =	srdreg.scid  }
0x8b: {  	s0 =	sand.u32 $0x1, s1  }
0x8c: {  	s17 =	sshll.u32 s0, $0xA;
	s2 =	sadd.s32 s3, s2  }
0x8d: {  	s2 =	sadd.s32 s2, s17  }
0x8e: {  	[smem:$0x3FC1] =	sst s2  }
0x8f: {  	_ = 	snop  }
0x90: {  	s2 =	sld [smem:$0x3FC8]  }
0x91: {  	s18 =	sld [smem:$0x3FD0];
	(tm) =	ssettm $0x1  }
0x92: {  	s4 =	sld [smem:$0x3FFB];
	_ =	sdelay $0x3  }
0x93: {  	_ =	strace s4  }
0x94: {  	s4 =	sld [smem:$0x3FFC];
	_ =	sdelay $0x3  }
0x95: {  	_ =	strace s4  }
0x96: {  	s4 =	sld [smem:$0x3FFD];
	_ =	sdelay $0x3  }
0x97: {  	_ =	strace s4  }
0x98: {  	_ =	strace $0x8FFFFFFF  }
0x99: {  	s19 =	sld [smem:$0x3FDB];
	_ =	sdelay $0x1  }
0x9a: {  	s5 =	simm.s32 $_scs_section_size  }
0x9b: {  	s6 =	simm.s32 $_size__tile_overlayer_lowered;
	s7 =	simm.s32 $_tile_overlayer_lowered  }
0x9c: {  	s22 =	simm.s32 $0x1BFF;
	s21 =	sshll.u32 s7, $0x1;
	s4 =	sadd.s32 s5, s19  }
0x9d: {  	s8 =	simm.s32 $0x0;
	s20 =	sshll.u32 s6, $0x1;
	s6 =	sadd.s32 s21, s4  }
0x9e: {  	[timem:s8], [sflag:s22] =	dma.local [hbm:s6], s20  }
0x9f: {  	_ =	swait.ge [sflag:s22], s20  }
0xa0: {  	s5 =	ssub.s32 $0x0, s20;
	[sflag:s22] =	ssyncset.done $0x0  }
0xa1: {  	[sflag:s22] =	ssyncadd.s32 s5;
	_ =	sdelay $0x1  }
0xa2: {  	s23 =	simm.s32 $0x1B8B  }
0xa3: {  	_ =	swait.ge [sflag:s23], $0x1  }
0xa4: {  	[sflag:s23] =	ssyncset.done $0x0  }
0xa5: {  	s25 =	simm.s32 $0x1B8E;
	s24 =	sld [smem:$0x3FFE];
	[sflag:s23] =	ssyncadd.s32 $0xFFFFFFFF  }
0xa6: {  	s26 =	simm.s32 $execute0_lowered;
	[smem:$0x3FD2] =	sst s25  }
0xa7: {  	s6 =	sshll.u32 s26, $0x1;
	_ =	strace $0x80000046;
	[dreg:$0x1] =	wrdreg $0xFFFFFFFF  }
0xa8: {  	s28 =	simm.s32 $_size_execute0_lowered;
	s4 =	sadd.s32 s4, s6;
	[dreg:$0x0] =	wrdreg $0x0  }
0xa9: {  	s6 =	sshll.u32 s28, $0x1;
	[dreg:$0x2] =	wrdreg s4  }
0xaa: {  	[dreg:$0x3] =	wrdreg s6  }
0xab: {  	[dreg:$0x4] =	wrdreg $0xC0  }
0xac: {  	_ =	task [dreg:s8], $0x5FFFF  }
0xad: {  	[dreg:$0x1] =	wrdreg $0xFFFFFFFF  }
0xae: {  	[dreg:$0x0] =	wrdreg $0x60  }
0xaf: {  	[dreg:$0x2] =	wrdreg s18  }
0xb0: {  	[dreg:$0x3] =	wrdreg s2  }
0xb1: {  	[dreg:$0x4] =	wrdreg s24  }
0xb2: {  	[dreg:$0x5] =	wrdreg $0x9  }
0xb3: {  	_ =	task.clear_ibuf [dreg:s8], $0x6FFFF;
	_ =	strace $0x90000046  }
0xb4: {  	s29 =	simm.s32 $0x9;
	_ =	strace $0x80000048  }
0xb5: {  	_ =	swait.ge [sflag:s29], $0x1  }
0xb6: {  	[sflag:s29] =	ssyncadd.s32 $0xFFFFFFFF  }
0xb7: {  	_ =	strace $0x90000048  }
0xb8: {  	_ =	sfence  }
0xb9: {  	s30 =	sld [smem:$0x0];
	_ =	sdelay $0x2  }
0xba: {  	s31 =	sshll.u32 s1, $0xD;
	s1 =	sshrl.u32 s1, $0x2  }
0xbb: {  	s3 =	sand.u32 $0x4000, s31;
	s1 =	sadd.s32 s1, s30  }
0xbc: {  	s0 =	sor.u32 s3, s0;
	s1 =	sshll.u32 s1, $0x11  }
0xbd: {  	s0 =	sor.u32 s1, s0  }
0xbe: {  	s0 =	sadd.s32 $0x8F2B, s0  }
0xbf: {  	[sflag:s0] =	ssyncadd.remote.s32 $0x1  }
0xc0: {  	_ =	sfence.sel $0xFFFF  }
0xc1: {  	[dreg:$0x0] =	wrdreg $0xFFFFFFFF;
	(pc) =	sbr.abs _section_cstart, $3  }
0xc2: {  	[dreg:$0x1] =	wrdreg $0xFFFFFFFF  }
0xc3: {  	_ =	task.clear_ibuf [dreg:s8], $0x2FFFF;
	_ =	strace $0x9FFFFFFF  }
0xc4: {  	(tm) =	ssettm $0x7FFFFFFF  }
0xc5: {  	_ =	shalt  }
tec
execute0_lowered:
.L_overlay_start_1:
0x0: {  	(tag) =	ssettag $0x1  }
0x1: {  	s1 =	rddreg [dreg:$0x0];
	s2 =	srdreg.scid  }
0x2: {  	s4 =	rddreg [dreg:$0x1];
	s0 =	stileid.u32  }
0x3: {  	s8 =	rddreg [dreg:$0x2];
	s3 =	simm.s32 $0x0;
	s6 =	sand.u32 $0x1, s2  }
0x4: {  	s5 =	sshll.u32 s0, $0xA;
	s2 =	rddreg [dreg:$0x3];
	s7 =	sshll.u32 s6, $0x9  }
0x5: {  	[smem:$0x7FF] =	sst s3;
	s9 =	sor.u32 s7, s5  }
0x6: {  	_ =	strace $0x80000047;
	s10 =	ssub.s32 $0x2, s6;
	s5 =	sshrl.u32 s9, $0x3  }
0x7: {  	s6 =	simm.s32 $0x200;
	s5 =	sadd.s32 s4, s5;
	s4 =	simm.s32 $0x2  }
0x8: {  	[tilespmem:s3], [sflag:$0x2] =	stream.linear.gather [hbm4b:s5+s3], $0x200, $0x38;
	[tilespmem:$0x8200] =	vst v63  }
0x9: {  	s7 =	simm.s32 $0x1;
	s11 =	sshrl.u32 s10, $0x1;
	_ =	swait.ge [sflag:s4], $0x200  }
0xa: {  	s9 =	sshll.u32 s9, $0x3;
	s31 =	ssub.s32 s10, s11;
	[sflag:s4] =	ssyncset.done $0x0  }
0xb: {  	s8 =	sadd.s32 s9, s8;
	s9 =	smax.u32 s31, $0x1;
	[sflag:s4] =	ssyncadd.s32 $0xFFFFFE00  }
0xc: {  	[tilespmem:s6], [sflag:$0x1] =	stream.indirect.gather [hbm4b:s1+s6], $0x40, s3, s6, $0xb8;
	[tilespmem:$0x8200] =	vst v63  }
0xd: {  	p0 =	sne.s32 s9, $0x1;
	_ =	swait.ge [sflag:s7], $0x8000  }
.Ltmp0:
0xe: {  	[sflag:s7] =	ssyncset.done $0x0;
	(pc) =	sbr.rel @!p0 .LBB2_2-.Ltmp0, $4  }
0xf: {  	s8 =	sadd.s32 $0x1600, s8;
	[sflag:s7] =	ssyncadd.s32 $0xFFFF8000  }
0x10: {  	[hbm4b:s8+s3] =	stream.linear.scatter [tilespmem:s6], [sflag:$0x2], $0x8000, $0x38;
	[tilespmem:$0x8200] =	vst v63  }
0x11: {  	_ =	swait.ge [sflag:s4], $0x8000  }
0x12: {  	s9 =	sadd.s32 $0xFFFFFFFF, s9;
	[sflag:s4] =	ssyncset.done $0x0  }
.LBB2_1:
0x13: {  	p0 =	sne.s32 s9, $0x1;
	s9 =	sadd.s32 $0xFFFFFFFF, s9;
	[sflag:s4] =	ssyncadd.s32 $0xFFFF8000  }
0x14: {  	[tilespmem:s3], [sflag:$0x2] =	stream.linear.gather [hbm4b:s5+s3], $0x200, $0x38;
	[tilespmem:$0x8200] =	vst v63  }
0x15: {  	_ =	swait.ge [sflag:s4], $0x200  }
0x16: {  	[sflag:s4] =	ssyncset.done $0x0  }
0x17: {  	[sflag:s4] =	ssyncadd.s32 $0xFFFFFE00  }
0x18: {  	[tilespmem:s6], [sflag:$0x1] =	stream.indirect.gather [hbm4b:s1+s6], $0x40, s3, s6, $0xb8;
	[tilespmem:$0x8200] =	vst v63  }
0x19: {  	_ =	swait.ge [sflag:s7], $0x8000  }
.Ltmp1:
0x1a: {  	[sflag:s7] =	ssyncset.done $0x0;
	(pc) =	sbr.rel @p0 .LBB2_1-.Ltmp1, $4  }
0x1b: {  	[sflag:s7] =	ssyncadd.s32 $0xFFFF8000  }
0x1c: {  	[hbm4b:s8+s3] =	stream.linear.scatter [tilespmem:s6], [sflag:$0x2], $0x8000, $0x38;
	[tilespmem:$0x8200] =	vst v63  }
0x1d: {  	_ =	swait.ge [sflag:s4], $0x8000  }
0x1e: {  	[sflag:s4] =	ssyncset.done $0x0  }
.LBB2_2:
0x1f: {  	[sflag:s4] =	ssyncadd.s32 $0xFFFF8000  }
0x20: {  	_ =	sfence.sel $0x180000  }
0x21: {  	[bflag:$0x0] =	sbarrier.arrive $0xFFFF  }
0x22: {  	p0 =	sne.s32 s0, $0x0;
	_ =	strace $0x90000047  }
0x23: {  	s0 =	sadd.s32 @!p0 $0x100000, s2;
	[bflag:$0x2] =	sbarrier.arrive $0xFFFF  }
0x24: {  	[sflag:s0] =	ssyncadd.tile.s32 @!p0 $0x1;
	_ =	shalt  }
.Lfunc_end2:
_tile_overlayer_lowered:
.L_overlay_start_2:
0x25: {  	(tag) =	ssettag $0x2  }
0x26: {  	s0 =	rddreg [dreg:$0x0];
	s2 =	stileid.u32  }
0x27: {  	s1 =	rddreg [dreg:$0x1];
	p0 =	sne.s32 s2, $0x0  }
0x28: {  	s3 =	rddreg [dreg:$0x2];
	[bflag:$0x3] =	sbarrier.arrive $0xFFFF;
	s2 =	simm.s32 @!p0 $0x1C02  }
0x29: {  	[timem:s3], [sflag:s2] =	dma.local @!p0 [hbm:s0], s1  }
0x2a: {  	s0 =	simm.s32 @!p0 $0x2  }
0x2b: {  	_ =	swait.ge @!p0 [sflag:s0], s1  }
0x2c: {  	s1 =	ssub.s32 @!p0 $0x0, s1;
	[sflag:s0] =	ssyncset.done @!p0 $0x0  }
0x2d: {  	[sflag:s0] =	ssyncadd.s32 @!p0 s1  }
0x2e: {  	[bflag:$0x3] =	sbarrier.arrive $0xFFFF  }
0x2f: {  	_ =	shalt  }

// kernel: kernel.8.cloned.1.call-start
scs
__scs_entry_jumppad:
0x0: {  	(pc) =	sbr.rel $0x88, $3  }
0x1: {  	(tag) =	ssettag $0x0;
	lr =	simm.s32 $0x1  }
0x2: {  	[smem:$0x3F9A] =	sst lr;
	_ =	strace $0xD0000000  }
0x3: {  	_ = 	snop  }
0x4: {  	_ = 	snop  }
0x5: {  	_ = 	snop  }
0x6: {  	_ = 	snop  }
0x7: {  	_ = 	snop  }
__scs_overlays_trampoline_lowered:
0x8: {  	[smem:$0x3FA9] =	sst s0  }
0x9: {  	[smem:$0x3FAA] =	sst s1  }
0xa: {  	[smem:$0x3FAB] =	sst s2  }
0xb: {  	[smem:$0x3FAC] =	sst s3  }
0xc: {  	[smem:$0x3FAD] =	sst s4  }
0xd: {  	[smem:$0x3FAE] =	sst s5  }
0xe: {  	[smem:$0x3FAF] =	sst s6  }
0xf: {  	[smem:$0x3FB0] =	sst s7  }
0x10: {  	[smem:$0x3FB1] =	sst s8  }
0x11: {  	[smem:$0x3FB2] =	sst s9;
	s0 =	simm.s32 @!p0 $0x0  }
0x12: {  	s1 =	sld [smem:$0x3F98];
	s0 =	simm.s32 @p0 $0x1  }
0x13: {  	[smem:$0x3FB3] =	sst s0;
	s0 =	simm.s32 @!p1 $0x0  }
0x14: {  	s2 =	sld [smem:$0x3F97];
	s0 =	simm.s32 @p1 $0x1  }
0x15: {  	[smem:$0x3FB4] =	sst s0;
	s0 =	simm.s32 @!p2 $0x0  }
0x16: {  	s3 =	sld [smem:$0x3FDB];
	s0 =	simm.s32 @p2 $0x1  }
0x17: {  	s4 =	simm.s32 $0x1BF5;
	[smem:$0x3FB6] =	sst s0  }
0x18: {  	s0 =	sld [smem:$0x3F99];
	_ =	swait.ge [sflag:s4], $0x0  }
0x19: {  	s7 =	sld [smem:$0x3F9A]  }
0x1a: {  	s8 =	sadd.s32 $0xFFFFE003, lr  }
0x1b: {  	s9 =	sadd.s32 $0xFFFFFEF7, lr;
	s5 =	simm.s32 $0xFFFFFFFF;
	p2 =	slt.u32 s8, $0xFFFFF086  }
0x1c: {  	p1 =	slt.u32 s9, $0xF7A;
	s5 =	simm.s32 @!p2 $0x0  }
0x1d: {  	s5 =	simm.s32 @p1 $0x1;
	p0 =	seq.s32 s7, s2  }
0x1e: {  	s7 =	smul.u32 @!p0 $0xF7A, s2;
	p2 =	seq.s32 @!p0 s5, $0x0  }
0x1f: {  	s9 =	smul.u32 $0xF7A, s1;
	s8 =	simm.s32 @!p0 $0x1BF5;
	p2 =	por !p2, p0  }
0x20: {  	[sflag:s8] =	ssyncset.s32 @!p0 $0xFFFFF086;
	s6 =	sadd.s32 @!p0 s3, s7;
	s7 =	simm.s32 @!p0 $0x108  }
0x21: {  	s3 =	sadd.s32 s3, s9;
	s6 =	sadd.s32 @!p0 $0x88, s6;
	s7 =	simm.s32 @p2 $0x1082  }
0x22: {  	[simem:s7], [sflag:s8] =	dma.local @!p0 [hbm:s6], $0xF7A  }
0x23: {  	s9 =	sor.u32 $0xD0000000, s2;
	s6 =	simm.s32 $0x108;
	_ =	swait.ge @!p0 [sflag:s8], $0x0  }
0x24: {  	s3 =	sadd.s32 $0x88, s3;
	s6 =	simm.s32 @!p1 $0x1082;
	[sflag:s4] =	ssyncset.s32 $0xFFFFF086  }
0x25: {  	[simem:s6], [sflag:s4] =	dma.local [hbm:s3], $0xF7A  }
0x26: {  	[smem:$0x3F9A] =	sst s1;
	(tag) =	ssettag s2;
	_ =	strace s9  }
0x27: {  	s1 =	sld [smem:$0x3FAA]  }
0x28: {  	s2 =	sld [smem:$0x3FAB]  }
0x29: {  	s4 =	sld [smem:$0x3FAD]  }
0x2a: {  	p0 =	seq.s32 s5, $0x0;
	s5 =	sld [smem:$0x3FAE]  }
0x2b: {  	s6 =	sld [smem:$0x3FAF]  }
0x2c: {  	s7 =	sld [smem:$0x3FB0]  }
0x2d: {  	s3 =	simm.s32 $0x108;
	s8 =	sld [smem:$0x3FB1]  }
0x2e: {  	s3 =	simm.s32 @!p0 $0x1082;
	s9 =	sld [smem:$0x3FB2]  }
0x2f: {  	lr =	sadd.s32 s0, s3;
	s0 =	sld [smem:$0x3FA9]  }
0x30: {  	s3 =	sld [smem:$0x3FAC]  }
0x31: {  	[smem:$0x3FB5] =	sst s10  }
0x32: {  	s10 =	sld [smem:$0x3FB3];
	_ =	sdelay $0x3  }
0x33: {  	p0 =	seq.s32 s10, $0x1;
	s10 =	sld [smem:$0x3FB5];
	_ =	sdelay $0x3  }
0x34: {  	[smem:$0x3FB5] =	sst s10  }
0x35: {  	s10 =	sld [smem:$0x3FB4];
	_ =	sdelay $0x3  }
0x36: {  	p1 =	seq.s32 s10, $0x1;
	s10 =	sld [smem:$0x3FB5];
	_ =	sdelay $0x3  }
0x37: {  	[smem:$0x3FB5] =	sst s10  }
0x38: {  	s10 =	sld [smem:$0x3FB6]  }
0x39: {  	_ = 	snop;
	(pc) =	sbr.ind lr, $3  }
0x3a: {  	_ = 	snop  }
0x3b: {  	_ = 	snop  }
0x3c: {  	p2 =	seq.s32 s10, $0x1;
	s10 =	sld [smem:$0x3FB5]  }
0x3d: {  	_ =	shalt  }
0x3e: {  	_ =	shalt  }
0x3f: {  	_ =	shalt  }
0x40: {  	_ =	shalt  }
0x41: {  	_ =	shalt  }
0x42: {  	_ =	shalt  }
0x43: {  	_ =	shalt  }
0x44: {  	_ =	shalt  }
0x45: {  	_ =	shalt  }
0x46: {  	_ =	shalt  }
0x47: {  	_ =	shalt  }
0x48: {  	_ =	shalt  }
0x49: {  	_ =	shalt  }
0x4a: {  	_ =	shalt  }
0x4b: {  	_ =	shalt  }
0x4c: {  	_ =	shalt  }
0x4d: {  	_ =	shalt  }
0x4e: {  	_ =	shalt  }
0x4f: {  	_ =	shalt  }
0x50: {  	_ =	shalt  }
0x51: {  	_ =	shalt  }
0x52: {  	_ =	shalt  }
0x53: {  	_ =	shalt  }
0x54: {  	_ =	shalt  }
0x55: {  	_ =	shalt  }
0x56: {  	_ =	shalt  }
0x57: {  	_ =	shalt  }
0x58: {  	_ =	shalt  }
0x59: {  	_ =	shalt  }
0x5a: {  	_ =	shalt  }
0x5b: {  	_ =	shalt  }
0x5c: {  	_ =	shalt  }
0x5d: {  	_ =	shalt  }
0x5e: {  	_ =	shalt  }
0x5f: {  	_ =	shalt  }
0x60: {  	_ =	shalt  }
0x61: {  	_ =	shalt  }
0x62: {  	_ =	shalt  }
0x63: {  	_ =	shalt  }
0x64: {  	_ =	shalt  }
0x65: {  	_ =	shalt  }
0x66: {  	_ =	shalt  }
0x67: {  	_ =	shalt  }
0x68: {  	_ =	shalt  }
0x69: {  	_ =	shalt  }
0x6a: {  	_ =	shalt  }
0x6b: {  	_ =	shalt  }
0x6c: {  	_ =	shalt  }
0x6d: {  	_ =	shalt  }
0x6e: {  	_ =	shalt  }
0x6f: {  	_ =	shalt  }
0x70: {  	_ =	shalt  }
0x71: {  	_ =	shalt  }
0x72: {  	_ =	shalt  }
0x73: {  	_ =	shalt  }
0x74: {  	_ =	shalt  }
0x75: {  	_ =	shalt  }
0x76: {  	_ =	shalt  }
0x77: {  	_ =	shalt  }
0x78: {  	_ =	shalt  }
0x79: {  	_ =	shalt  }
0x7a: {  	_ =	shalt  }
0x7b: {  	_ =	shalt  }
0x7c: {  	_ =	shalt  }
0x7d: {  	_ =	shalt  }
0x7e: {  	_ =	shalt  }
0x7f: {  	_ =	shalt  }
0x80: {  	_ =	shalt  }
0x81: {  	_ =	shalt  }
0x82: {  	_ =	shalt  }
0x83: {  	_ =	shalt  }
0x84: {  	_ =	shalt  }
0x85: {  	_ =	shalt  }
0x86: {  	_ =	shalt  }
0x87: {  	_ =	shalt  }
.Lfunc_end0:
.L_simem_size_0:
called_computation.2_lowered:
.L_overlay_start_0:
0x88: {  	s2 =	sld [smem:$0x3FD9]  }
0x89: {  	s3 =	sld [smem:$0x3FFE];
	_ =	sdelay $0x1  }
0x8a: {  	s1 =	srdreg.scid  }
0x8b: {  	s0 =	sand.u32 $0x1, s1  }
0x8c: {  	s17 =	sshll.u32 s0, $0xA;
	s2 =	sadd.s32 s3, s2  }
0x8d: {  	s2 =	sadd.s32 s2, s17  }
0x8e: {  	[smem:$0x3FC1] =	sst s2  }
0x8f: {  	_ = 	snop  }
0x90: {  	s2 =	sld [smem:$0x3FC8]  }
0x91: {  	s18 =	sld [smem:$0x3FD0];
	(tm) =	ssettm $0x1  }
0x92: {  	s4 =	sld [smem:$0x3FFB];
	_ =	sdelay $0x3  }
0x93: {  	_ =	strace s4  }
0x94: {  	s4 =	sld [smem:$0x3FFC];
	_ =	sdelay $0x3  }
0x95: {  	_ =	strace s4  }
0x96: {  	s4 =	sld [smem:$0x3FFD];
	_ =	sdelay $0x3  }
0x97: {  	_ =	strace s4  }
0x98: {  	_ =	strace $0x8FFFFFFF  }
0x99: {  	s19 =	sld [smem:$0x3FDB];
	_ =	sdelay $0x1  }
0x9a: {  	s5 =	simm.s32 $_scs_section_size  }
0x9b: {  	s6 =	simm.s32 $_size__tile_overlayer_lowered;
	s7 =	simm.s32 $_tile_overlayer_lowered  }
0x9c: {  	s22 =	simm.s32 $0x1BFF;
	s21 =	sshll.u32 s7, $0x1;
	s4 =	sadd.s32 s5, s19  }
0x9d: {  	s8 =	simm.s32 $0x0;
	s20 =	sshll.u32 s6, $0x1;
	s6 =	sadd.s32 s21, s4  }
0x9e: {  	[timem:s8], [sflag:s22] =	dma.local [hbm:s6], s20  }
0x9f: {  	_ =	swait.ge [sflag:s22], s20  }
0xa0: {  	s5 =	ssub.s32 $0x0, s20;
	[sflag:s22] =	ssyncset.done $0x0  }
0xa1: {  	[sflag:s22] =	ssyncadd.s32 s5;
	_ =	sdelay $0x1  }
0xa2: {  	s23 =	simm.s32 $0x1B8B  }
0xa3: {  	_ =	swait.ge [sflag:s23], $0x1  }
0xa4: {  	[sflag:s23] =	ssyncset.done $0x0  }
0xa5: {  	s25 =	simm.s32 $0x1B8E;
	s24 =	sld [smem:$0x3FFE];
	[sflag:s23] =	ssyncadd.s32 $0xFFFFFFFF  }
0xa6: {  	s26 =	simm.s32 $execute0_lowered;
	[smem:$0x3FD2] =	sst s25  }
0xa7: {  	s6 =	sshll.u32 s26, $0x1;
	_ =	strace $0x80000049;
	[dreg:$0x1] =	wrdreg $0xFFFFFFFF  }
0xa8: {  	s28 =	simm.s32 $_size_execute0_lowered;
	s4 =	sadd.s32 s4, s6;
	[dreg:$0x0] =	wrdreg $0x0  }
0xa9: {  	s6 =	sshll.u32 s28, $0x1;
	[dreg:$0x2] =	wrdreg s4  }
0xaa: {  	[dreg:$0x3] =	wrdreg s6  }
0xab: {  	[dreg:$0x4] =	wrdreg $0xC0  }
0xac: {  	_ =	task [dreg:s8], $0x5FFFF  }
0xad: {  	[dreg:$0x1] =	wrdreg $0xFFFFFFFF  }
0xae: {  	[dreg:$0x0] =	wrdreg $0x60  }
0xaf: {  	[dreg:$0x2] =	wrdreg s18  }
0xb0: {  	[dreg:$0x3] =	wrdreg s2  }
0xb1: {  	[dreg:$0x4] =	wrdreg s24  }
0xb2: {  	[dreg:$0x5] =	wrdreg $0x9  }
0xb3: {  	_ =	task.clear_ibuf [dreg:s8], $0x6FFFF;
	_ =	strace $0x90000049  }
0xb4: {  	s29 =	simm.s32 $0x9;
	_ =	strace $0x8000004B  }
0xb5: {  	_ =	swait.ge [sflag:s29], $0x1  }
0xb6: {  	[sflag:s29] =	ssyncadd.s32 $0xFFFFFFFF  }
0xb7: {  	_ =	strace $0x9000004B  }
0xb8: {  	_ =	sfence  }
0xb9: {  	s30 =	sld [smem:$0x0];
	_ =	sdelay $0x2  }
0xba: {  	s31 =	sshll.u32 s1, $0xD;
	s1 =	sshrl.u32 s1, $0x2  }
0xbb: {  	s3 =	sand.u32 $0x4000, s31;
	s1 =	sadd.s32 s1, s30  }
0xbc: {  	s0 =	sor.u32 s3, s0;
	s1 =	sshll.u32 s1, $0x11  }
0xbd: {  	s0 =	sor.u32 s1, s0  }
0xbe: {  	s0 =	sadd.s32 $0x8F2B, s0  }
0xbf: {  	[sflag:s0] =	ssyncadd.remote.s32 $0x1  }
0xc0: {  	_ =	sfence.sel $0xFFFF  }
0xc1: {  	[dreg:$0x0] =	wrdreg $0xFFFFFFFF;
	(pc) =	sbr.abs _section_cstart, $3  }
0xc2: {  	[dreg:$0x1] =	wrdreg $0xFFFFFFFF  }
0xc3: {  	_ =	task.clear_ibuf [dreg:s8], $0x2FFFF;
	_ =	strace $0x9FFFFFFF  }
0xc4: {  	(tm) =	ssettm $0x7FFFFFFF  }
0xc5: {  	_ =	shalt  }
tec
execute0_lowered:
.L_overlay_start_1:
0x0: {  	(tag) =	ssettag $0x1  }
0x1: {  	s0 =	rddreg [dreg:$0x0]  }
0x2: {  	s2 =	rddreg [dreg:$0x1];
	s1 =	srdreg.scid  }
0x3: {  	s13 =	stileid.u32;
	s5 =	rddreg [dreg:$0x2]  }
0x4: {  	s3 =	simm.s32 $0x0;
	s14 =	simm.s32 $0x6;
	s15 =	simm.s32 $0x800  }
0x5: {  	s16 =	simm.s32 $0x4800;
	s17 =	simm.s32 $0x1;
	s18 =	simm.s32 $0x8800  }
0x6: {  	s19 =	simm.s32 $0x10218;
	s20 =	simm.s32 $0x12158;
	s21 =	simm.s32 $0x3  }
0x7: {  	s28 =	simm.s32 $0x5;
	s29 =	simm.s32 $0x14098;
	s22 =	smul.u32 $0xF424, s13  }
0x8: {  	s1 =	sand.u32 $0x1, s1;
	s4 =	sshll.u32 s13, $0x1;
	s13 =	smul.u32 $0x7A120, s13  }
0x9: {  	s30 =	simm.s32 $0x0;
	[smem:$0x7FF] =	sst s3;
	s12 =	smul.u32 $0x7A12, s1  }
0xa: {  	s6 =	sor.u32 s1, s4;
	s8 =	ssub.s32 $0x2, s1;
	s1 =	smul.u32 $0x3D090, s1  }
0xb: {  	_ =	strace $0x8000004A;
	s4 =	sadd.s32 $0x1600, s5;
	s7 =	smul.u32 $0x7A12, s6  }
0xc: {  	s5 =	sadd.s32 $0x21600, s5;
	s9 =	smul.u32 $0x3D090, s6;
	s10 =	sshrl.u32 s8, $0x1  }
0xd: {  	s6 =	smul.u32 $0x1E8480, s6;
	s31 =	sadd.s32 s13, s5;
	s8 =	ssub.s32 s8, s10  }
0xe: {  	s25 =	sadd.s32 s12, s22;
	s22 =	simm.s32 $0x2;
	s11 =	sadd.s32 $0x7A12, s7  }
0xf: {  	s9 =	sadd.s32 s0, s9;
	s6 =	sshrl.u32 s6, $0x3;
	s8 =	smax.u32 s8, $0x1  }
0x10: {  	[dreg:$0x4] =	wrdreg s9;
	s23 =	sadd.s32 s0, s6;
	s6 =	sadd.s32 s5, s6  }
0x11: {  	[dreg:$0x8] =	wrdreg s8;
	s0 =	sadd.s32 s13, s0;
	s13 =	sadd.s32 s1, s31  }
.Ltmp0:
0x12: {  	v2 =	vlaneseq.u32;
	s10 =	sadd.s32 $0x3E8, s23;
	s24 =	sadd.s32 $0x3C8C0, s6;
	(pc) =	sbr.rel .LBB2_1-.Ltmp0, $4  }
0x13: {  	v3 =	vimm.s32 $0x0;
	vm12 =	vmmov $0x1;
	v1 =	vmov s11;
	s6 =	sadd.s32 $0x3CCA8, s6;
	s11 =	sadd.s32 s1, s0;
	[dreg:$0x5] =	wrdreg s10  }
0x14: {  	vm8 =	vcmask $0x704;
	vm9 =	vcmask $0xB08;
	vm5 =	vcmask $0xF0C;
	s23 =	simm.s32 $0x4;
	[dreg:$0x7] =	wrdreg s6;
	s6 =	sshll.u32 s25, $0x3  }
0x15: {  	vm6 =	vcmask $0x1310;
	vm7 =	vcmask $0x1714;
	vm0 =	vcmask $0x2F2C;
	[dreg:$0x6] =	wrdreg s24;
	s24 =	simm.s32 $0x80;
	s26 =	sadd.s32 s5, s6  }
0x16: {  	vm15 =	vcmask $0x3734;
	vm14 =	vcmask $0x3F3C;
	v0 =	vmov s7;
	s25 =	simm.s32 $0x14118;
	s12 =	sadd.s32 $0x3E8, s26;
	s26 =	simm.s32 $0x14198  }
.LBB2_23:
0x17: {  	[sflag:s28] =	ssyncadd.s32 $0xFFFFE000  }
.LBB2_24:
0x18: {  	s30 =	sadd.s32 $0x1, s30;
	s0 =	rddreg [dreg:$0x8]  }
0x19: {  	p0 =	sne.s32 s30, s0  }
.Ltmp1:
0x1a: {  	_ = 	snop;
	(pc) =	sbr.rel @!p0 .LBB2_25-.Ltmp1, $1  }
0x1b: {  	_ =	sdelay $0x3  }
.LBB2_1:
0x1c: {  	s1 =	simm.s32 $0x0;
	s0 =	simm.s32 $0x0;
	s31 =	simm.s32 $0x0  }
.LBB2_2:
0x1d: {  	s6 =	sshll.u32 s31, $0x8  }
0x1e: {  	s7 =	simm.s32 $0x0;
	s6 =	sadd.s32 s2, s6  }
0x1f: {  	[tilespmem:s7], [sflag:$0x6] =	stream.linear.gather [hbm4b:s6+s7], $0x800, $0x38;
	[tilespmem:$0x16198] =	vst v63  }
0x20: {  	_ =	swait.ge [sflag:s14], $0x800  }
0x21: {  	[sflag:s14] =	ssyncset.done $0x0  }
0x22: {  	s10 =	simm.s32 $0x0;
	[sflag:s14] =	ssyncadd.s32 $0xFFFFF800  }
0x23: {  	v4 =	vld [tilespmem:s10+$0x0];
	_ =	sdelay $0x4  }
0x24: {  	vm1 =	vge.s32 v4, v0;
	vm2 =	vlt.s32 v4, v1  }
0x25: {  	vm1 =	vmand vm1, vm2  }
0x26: {  	v5 =	vsel vm1, $0x1, v3  }
0x27: {  	(xrf0) =	vadd.scan.msk.s32 $0xffff, v5;
	_ =	sdelay $0x2  }
0x28: {  	v5 =	vmov s0  }
0x29: {  	v5 =	vadd.s32 $0xFFFFFFFF, v5  }
0x2a: {  	v5 =	vbroadcast v5, $0x0  }
0x2b: {  	v6, _, _ =	vpop (xrf0)  }
0x2c: {  	v5 =	vadd.s32 v6, v5;
	(v2sf) =	vpush v6, $0xF;
	_ =	sdelay $0x4  }
0x2d: {  	[tilespmem:v5+s15+$0x0] =	vst.idx.msk vm1, v4;
	v4 =	vor.u32 s1, v2  }
0x2e: {  	s8 =	simm.s32 $0x10;
	s7 =	simm.s32 $0x80;
	s6 =	smov.u32 s1;
	[tilespmem:v5+s16+$0x0] =	vst.idx.msk vm1, v4  }
.LBB2_3:
0x2f: {  	p0 =	sne.s32 s7, $0x1FC0;
	v4 =	vld [tilespmem:s8+$0x0];
	_ =	sdelay $0x4  }
0x30: {  	vm1 =	vge.s32 v4, v0;
	vm2 =	vlt.s32 v4, v1  }
0x31: {  	vm1 =	vmand vm1, vm2  }
0x32: {  	v5 =	vsel vm1, $0x1, v3  }
0x33: {  	(xrf0) =	vadd.scan.msk.s32 $0xffff, v5;
	s8 =	spop (v2sf)  }
0x34: {  	s0 =	sadd.s32 s0, s8  }
0x35: {  	v5 =	vmov s0  }
0x36: {  	v5 =	vadd.s32 $0xFFFFFFFF, v5  }
0x37: {  	v5 =	vbroadcast v5, $0x0;
	_ =	sdelay $0x1  }
0x38: {  	v6, _, _ =	vpop (xrf0)  }
0x39: {  	v5 =	vadd.s32 v6, v5;
	(v2sf) =	vpush v6, $0xF;
	_ =	sdelay $0x1  }
.Ltmp2:
0x3a: {  	(pc) =	sbr.rel @p0 .LBB2_3-.Ltmp2, $4  }
0x3b: {  	_ = 	snop  }
0x3c: {  	s6 =	sadd.s32 $0x10, s6  }
0x3d: {  	v6 =	vor.u32 s6, v2;
	[tilespmem:v5+s15+$0x0] =	vst.idx.msk vm1, v4  }
0x3e: {  	s8 =	sshra.s32 s7, $0x2;
	s7 =	sadd.s32 $0x40, s7;
	[tilespmem:v5+s16+$0x0] =	vst.idx.msk vm1, v6  }
0x3f: {  	v4 =	vld [tilespmem:s8+$0x0];
	_ =	sdelay $0x4  }
0x40: {  	vm1 =	vge.s32 v4, v0;
	vm2 =	vlt.s32 v4, v1  }
0x41: {  	vm1 =	vmand vm1, vm2  }
0x42: {  	v5 =	vsel vm1, $0x1, v3  }
0x43: {  	(xrf0) =	vadd.scan.msk.s32 $0xffff, v5;
	_ =	sdelay $0x5  }
0x44: {  	v5, _, _ =	vpop (xrf0)  }
0x45: {  	(v2sf) =	vpush v5, $0xF;
	_ =	sdelay $0x3  }
0x46: {  	s7 =	spop (v2sf)  }
0x47: {  	s0 =	sadd.s32 s0, s7  }
0x48: {  	v6 =	vmov s0  }
0x49: {  	v6 =	vadd.s32 $0xFFFFFFFF, v6  }
0x4a: {  	v6 =	vbroadcast v6, $0x0;
	_ =	sdelay $0x1  }
0x4b: {  	s31 =	sadd.s32 $0x1, s31;
	v5 =	vadd.s32 v5, v6  }
0x4c: {  	p0 =	sne.s32 s31, $0x8  }
.Ltmp3:
0x4d: {  	_ = 	snop;
	(pc) =	sbr.rel @p0 .LBB2_2-.Ltmp3, $4  }
0x4e: {  	_ = 	snop  }
0x4f: {  	s6 =	sadd.s32 $0x10, s6  }
0x50: {  	v63 =	vor.u32 s6, v2;
	[tilespmem:v5+s15+$0x0] =	vst.idx.msk vm1, v4;
	s10 =	spop (v2sf)  }
0x51: {  	s1 =	sadd.s32 $0x800, s1;
	[tilespmem:v5+s16+$0x0] =	vst.idx.msk vm1, v63;
	s0 =	sadd.s32 s0, s10  }
0x52: {  	s1 =	sadd.s32 $0xF, s0  }
0x53: {  	s6 =	sand.u32 $0xF, s1  }
0x54: {  	s7 =	sshra.s32 s1, $0x1F;
	p0 =	slt.s32 s1, $0x1;
	p1 =	sne.s32 s6, $0x0  }
0x55: {  	s31 =	sshrl.u32 s7, $0x1C;
	p0 =	por !p0, !p1  }
0x56: {  	s6 =	simm.s32 $0x1;
	s1 =	sadd.s32 s31, s1;
	p0 =	por !p0, !p0  }
0x57: {  	s1 =	sshra.s32 s1, $0x4;
	s6 =	simm.s32 @!p0 $0x0  }
0x58: {  	s6 =	ssub.s32 s1, s6  }
0x59: {  	p0 =	slt.s32 s6, $0x1  }
.Ltmp4:
0x5a: {  	_ = 	snop;
	(pc) =	sbr.rel @p0 .LBB2_6-.Ltmp4, $1  }
0x5b: {  	_ =	sdelay $0x3  }
0x5c: {  	s7 =	simm.s32 $0x800;
	v4 =	vmov s0;
	s0 =	simm.s32 $0x0  }
0x5d: {  	s1 =	simm.s32 $0x0;
	s8 =	simm.s32 $0x800;
	s9 =	smov.u32 s6  }
.LBB2_8:
0x5e: {  	v5 =	vld [tilespmem:s8+$0x0];
	_ =	sdelay $0x1  }
0x5f: {  	v6 =	vor.u32 s1, v2  }
0x60: {  	vm1 =	vlt.s32 v6, v4  }
0x61: {  	vm2 =	vmand vm1, vm12  }
0x62: {  	vm3 =	vmand vm1, vm8;
	v5 =	vsub.s32 v5, v0  }
0x63: {  	vm4 =	vmand vm1, vm9;
	_ =	sdelay $0x1  }
0x64: {  	vm10 =	vmand vm1, vm5  }
0x65: {  	vm11 =	vmand vm1, vm6  }
0x66: {  	vm13 =	vmmov vm12;
	vm12 =	vmand vm1, vm7;
	[tilespmem:v5+s18+$0x0] =	vst.idx.msk vm2, v6;
	vm2 =	vcmask $0x1B18  }
0x67: {  	vm2 =	vmand vm1, vm2;
	[tilespmem:v5+s18+$0x0] =	vst.idx.msk vm3, v6;
	vm3 =	vcmask $0x1F1C  }
0x68: {  	vm3 =	vmand vm1, vm3;
	[tilespmem:v5+s18+$0x0] =	vst.idx.msk vm4, v6;
	vm4 =	vcmask $0x2320  }
0x69: {  	vm4 =	vmand vm1, vm4  }
0x6a: {  	[tilespmem:v5+s18+$0x0] =	vst.idx.msk vm10, v6;
	vm10 =	vcmask $0x2724  }
0x6b: {  	vm10 =	vmand vm1, vm10;
	[tilespmem:v5+s18+$0x0] =	vst.idx.msk vm11, v6;
	vm11 =	vcmask $0x2B28  }
0x6c: {  	vm11 =	vmand vm1, vm11;
	[tilespmem:v5+s18+$0x0] =	vst.idx.msk vm12, v6  }
0x6d: {  	vm12 =	vmand vm1, vm0;
	[tilespmem:v5+s18+$0x0] =	vst.idx.msk vm2, v6;
	vm2 =	vcmask $0x3330  }
0x6e: {  	vm2 =	vmand vm1, vm2;
	[tilespmem:v5+s18+$0x0] =	vst.idx.msk vm3, v6  }
0x6f: {  	vm3 =	vmand vm1, vm15;
	[tilespmem:v5+s18+$0x0] =	vst.idx.msk vm4, v6;
	vm4 =	vcmask $0x3B38  }
0x70: {  	vm4 =	vmand vm1, vm4  }
0x71: {  	[tilespmem:v5+s18+$0x0] =	vst.idx.msk vm10, v6;
	vm1 =	vmand vm1, vm14  }
0x72: {  	p0 =	sne.s32 s9, $0x1;
	[tilespmem:v5+s18+$0x0] =	vst.idx.msk vm11, v6  }
.Ltmp5:
0x73: {  	[tilespmem:v5+s18+$0x0] =	vst.idx.msk vm12, v6;
	(pc) =	sbr.rel @p0 .LBB2_8-.Ltmp5, $4  }
0x74: {  	[tilespmem:v5+s18+$0x0] =	vst.idx.msk vm2, v6  }
0x75: {  	[tilespmem:v5+s18+$0x0] =	vst.idx.msk vm3, v6  }
0x76: {  	[tilespmem:v5+s18+$0x0] =	vst.idx.msk vm4, v6  }
0x77: {  	s8 =	sadd.s32 $0x10, s8;
	s1 =	sadd.s32 $0x10, s1;
	s9 =	sadd.s32 $0xFFFFFFFF, s9;
	vm12 =	vmmov vm13;
	[tilespmem:v5+s18+$0x0] =	vst.idx.msk vm1, v6  }
0x78: {  	p1 =	sne.s32 s6, $0x1  }
.Ltmp6:
0x79: {  	_ = 	snop;
	(pc) =	sbr.rel @!p1 .LBB2_10-.Ltmp6, $2  }
0x7a: {  	_ =	sdelay $0x2  }
0x7b: {  	s1 =	simm.s32 $0x4800;
	v5 =	vld [tilespmem:s7+$0x0];
	s6 =	sadd.s32 $0xFFFFFFFF, s6;
	p0 =	por $0x0, $0x0  }
0x7c: {  	_ =	sdelay $0x3  }
0x7d: {  	v6 =	vsub.s32 v5, v0  }
0x7e: {  	vm1 =	vgt.s32 v6, $0x0  }
0x7f: {  	v6 =	vnsel vm1, $0x0, v6  }
0x80: {  	v6 =	vmin.u32 v6, $0x7A11;
	_ =	sdelay $0x4  }
0x81: {  	v6 =	vld.idx.msk [tilespmem:v6+s18+$0x0], $0xffff;
	_ =	sdelay $0x3  }
0x82: {  	v7 =	vor.u32 s0, v2  }
0x83: {  	vm1 =	vlt.s32 v7, v4;
	vm2 =	veq.s32 v6, v7  }
0x84: {  	vm1 =	vmand vm1, vm2  }
0x85: {  	v6 =	vsel vm1, $0x1, v3  }
0x86: {  	(xrf0) =	vadd.scan.msk.s32 $0xffff, v6;
	_ =	sdelay $0x2  }
0x87: {  	v6 =	vmov s0  }
0x88: {  	v6 =	vadd.s32 $0xFFFFFFFF, v6  }
0x89: {  	v6 =	vbroadcast v6, $0x0  }
0x8a: {  	v7, _, _ =	vpop (xrf0)  }
0x8b: {  	v6 =	vadd.s32 v7, v6;
	(v2sf) =	vpush v7, $0xF  }
0x8c: {  	v8 =	vld [tilespmem:s1+$0x0]  }
0x8d: {  	p1 =	sne.s32 s6, $0x1  }
.Ltmp7:
0x8e: {  	_ = 	snop;
	(pc) =	sbr.rel @!p1 .LBB2_12-.Ltmp7, $4  }
0x8f: {  	_ = 	snop  }
0x90: {  	[tilespmem:v6+s15+$0x0] =	vst.idx.msk vm1, v5  }
0x91: {  	s8 =	simm.s32 $0x810;
	s9 =	sadd.s32 $0xFFFFFFFF, s6;
	p0 =	por $0x1, $0x1;
	[tilespmem:v6+s16+$0x0] =	vst.idx.msk vm1, v8  }
0x92: {  	s31 =	simm.s32 $0x0;
	s7 =	simm.s32 $0x0;
	s6 =	simm.s32 $0x4800;
	vm15 =	vcmask $0x3734;
	v5 =	vld [tilespmem:s8+$0x0]  }
.LBB2_13:
0x93: {  	p1 =	sne.s32 s9, $0x1;
	_ =	sdelay $0x3  }
0x94: {  	v6 =	vsub.s32 v5, v0  }
0x95: {  	vm1 =	vgt.s32 v6, $0x0  }
0x96: {  	v6 =	vnsel vm1, $0x0, v6  }
0x97: {  	v6 =	vmin.u32 v6, $0x7A11;
	s10 =	spop (v2sf)  }
0x98: {  	s31 =	sadd.s32 s31, s10  }
0x99: {  	v7 =	vmov s31  }
0x9a: {  	v7 =	vadd.s32 $0xFFFFFFFF, v7  }
0x9b: {  	v7 =	vbroadcast v7, $0x0  }
0x9c: {  	v6 =	vld.idx.msk [tilespmem:v6+s18+$0x0], $0xffff;
	_ =	sdelay $0x3  }
0x9d: {  	s7 =	sadd.s32 $0x10, s7  }
0x9e: {  	v8 =	vor.u32 s7, v2  }
0x9f: {  	vm1 =	vlt.s32 v8, v4;
	vm2 =	veq.s32 v6, v8  }
0xa0: {  	vm1 =	vmand vm1, vm2  }
0xa1: {  	v6 =	vsel vm1, $0x1, v3  }
0xa2: {  	(xrf0) =	vadd.scan.msk.s32 $0xffff, v6;
	_ =	sdelay $0x5  }
0xa3: {  	v6, _, _ =	vpop (xrf0)  }
0xa4: {  	s6 =	sadd.s32 $0x10, s6;
	v7 =	vadd.s32 v6, v7;
	(v2sf) =	vpush v6, $0xF  }
0xa5: {  	v6 =	vld [tilespmem:s6+$0x0];
	_ =	sdelay $0x1  }
.Ltmp8:
0xa6: {  	(pc) =	sbr.rel @p1 .LBB2_13-.Ltmp8, $4  }
0xa7: {  	_ = 	snop  }
0xa8: {  	[tilespmem:v7+s15+$0x0] =	vst.idx.msk vm1, v5  }
0xa9: {  	s8 =	sadd.s32 $0x10, s8;
	[tilespmem:v7+s16+$0x0] =	vst.idx.msk vm1, v6  }
0xaa: {  	s9 =	sadd.s32 $0xFFFFFFFF, s9;
	v5 =	vld [tilespmem:s8+$0x0]  }
.LBB2_14:
0xab: {  	_ =	sdelay $0x3  }
0xac: {  	v6 =	vsub.s32 v5, v0  }
0xad: {  	vm1 =	vgt.s32 v6, $0x0  }
0xae: {  	v6 =	vnsel vm1, $0x0, v6  }
0xaf: {  	v6 =	vmin.u32 v6, $0x7A11;
	_ =	sdelay $0x4  }
0xb0: {  	v6 =	vld.idx.msk [tilespmem:v6+s18+$0x0], $0xffff;
	_ =	sdelay $0x1  }
0xb1: {  	s7 =	sadd.s32 @p0 $0x10, s7  }
0xb2: {  	s0 =	smov.u32 @p0 s7  }
0xb3: {  	v7 =	vor.u32 s0, v2  }
0xb4: {  	vm1 =	vlt.s32 v7, v4;
	vm2 =	veq.s32 v6, v7  }
0xb5: {  	vm1 =	vmand vm1, vm2  }
0xb6: {  	v4 =	vsel vm1, $0x1, v3  }
0xb7: {  	(xrf0) =	vadd.scan.msk.s32 $0xffff, v4;
	_ =	sdelay $0x5  }
0xb8: {  	v4, _, _ =	vpop (xrf0)  }
0xb9: {  	(v2sf) =	vpush v4, $0xF;
	_ =	sdelay $0x2  }
0xba: {  	s0 =	spop @p0 (v2sf)  }
0xbb: {  	s7 =	simm.s32 $0x0;
	s0 =	sadd.s32 @p0 s31, s0  }
0xbc: {  	s7 =	smov.u32 @p0 s0  }
0xbd: {  	v62 =	vmov s7  }
0xbe: {  	v6 =	vadd.s32 $0xFFFFFFFF, v62  }
0xbf: {  	v6 =	vbroadcast v6, $0x0  }
0xc0: {  	s0 =	sadd.s32 @p0 $0x10, s6  }
0xc1: {  	s1 =	smov.u32 @p0 s0;
	v4 =	vadd.s32 v4, v6  }
0xc2: {  	v63 =	vld [tilespmem:s1+$0x0]  }
.Ltmp9:
0xc3: {  	_ = 	snop;
	(pc) =	sbr.rel .LBB2_15-.Ltmp9, $3  }
0xc4: {  	_ =	sdelay $0x1  }
0xc5: {  	[tilespmem:v4+s15+$0x0] =	vst.idx.msk vm1, v5;
	s31 =	spop (v2sf)  }
0xc6: {  	[tilespmem:v4+s16+$0x0] =	vst.idx.msk vm1, v63;
	s6 =	sadd.s32 s7, s31  }
.LBB2_6:
0xc7: {  	s6 =	simm.s32 $0x0  }
.LBB2_15:
0xc8: {  	s0 =	sadd.s32 $0x7F, s6  }
0xc9: {  	s1 =	sand.u32 $0x7F, s0  }
0xca: {  	s7 =	sshra.s32 s0, $0x1F;
	p0 =	slt.s32 s0, $0x1;
	p1 =	sne.s32 s1, $0x0  }
0xcb: {  	s31 =	sshrl.u32 s7, $0x19;
	p0 =	por !p0, !p1  }
0xcc: {  	s1 =	simm.s32 $0x1;
	s0 =	sadd.s32 s31, s0;
	p0 =	por !p0, !p0  }
0xcd: {  	s0 =	sshra.s32 s0, $0x7;
	s1 =	simm.s32 @!p0 $0x0  }
0xce: {  	p0 =	slt.s32 s6, $0x1;
	s0 =	ssub.s32 s0, s1  }
0xcf: {  	s1 =	sshll.u32 @!p0 s0, $0x7  }
0xd0: {  	s8 =	sshrl.u32 @!p0 s6, $0x4;
	s9 =	sshra.s32 @!p0 s1, $0x4  }
0xd1: {  	p1 =	sge.s32 @!p0 s8, s9  }
0xd2: {  	p1 =	por p0, p1  }
.Ltmp10:
0xd3: {  	_ = 	snop;
	(pc) =	sbr.rel @p1 .LBB2_18-.Ltmp10, $1  }
0xd4: {  	_ =	sdelay $0x3  }
0xd5: {  	s1 =	simm.s32 @!p0 $0x800;
	s7 =	sshll.u32 s8, $0x6  }
0xd6: {  	v4 =	vld.msk @!p0 [tilespmem:s1+$0x0], $0xffff;
	s1 =	simm.s32 @!p0 $0x4800;
	s7 =	sshra.s32 s7, $0x2  }
0xd7: {  	v5 =	vld.msk @!p0 [tilespmem:s1+$0x0], $0xffff;
	s10 =	sadd.s32 $0x800, s7  }
0xd8: {  	s31 =	ssub.s32 s8, s9;
	s1 =	sadd.s32 $0x4800, s7;
	v7 =	vld [tilespmem:s10+$0x0]  }
0xd9: {  	v6 =	vmov s6;
	s6 =	sadd.s32 $0x1, s31;
	v8 =	vld [tilespmem:s1+$0x0]  }
0xda: {  	s7 =	sshll.u32 s8, $0x4;
	p0 =	seq.s32 s6, $0x0  }
.Ltmp11:
0xdb: {  	v9 =	vor.u32 s7, v2;
	(pc) =	sbr.rel @p0 .LBB2_18-.Ltmp11, $4  }
0xdc: {  	vm1 =	vlt.s32 v9, v6  }
0xdd: {  	v7 =	vsel vm1, v7, v4  }
0xde: {  	[tilespmem:s10+$0x0] =	vst v7;
	v7 =	vsel vm1, v8, v5  }
0xdf: {  	s8 =	sadd.s32 $0x10, s10;
	[tilespmem:s1+$0x0] =	vst v7  }
.LBB2_17:
0xe0: {  	v7 =	vld [tilespmem:s8+$0x0];
	s1 =	sadd.s32 $0x10, s1  }
0xe1: {  	s6 =	sadd.s32 $0x1, s6;
	v8 =	vld [tilespmem:s1+$0x0]  }
0xe2: {  	s7 =	sadd.s32 $0x10, s7;
	p0 =	seq.s32 s6, $0x0  }
.Ltmp12:
0xe3: {  	v9 =	vor.u32 s7, v2;
	(pc) =	sbr.rel @!p0 .LBB2_17-.Ltmp12, $4  }
0xe4: {  	vm1 =	vlt.s32 v9, v6  }
0xe5: {  	v7 =	vsel vm1, v7, v4  }
0xe6: {  	[tilespmem:s8+$0x0] =	vst v7;
	v7 =	vsel vm1, v8, v5  }
0xe7: {  	s8 =	sadd.s32 $0x10, s8;
	[tilespmem:s1+$0x0] =	vst v7  }
.LBB2_18:
0xe8: {  	s1 =	simm.s32 $0x0;
	s6 =	rddreg [dreg:$0x4]  }
0xe9: {  	[tilespmem:s19], [sflag:$0x1] =	stream.linear.gather [hbm4b:s6+s1], $0x1F40, $0x38;
	[tilespmem:$0x16198] =	vst v63  }
0xea: {  	s7 =	rddreg [dreg:$0x5]  }
0xeb: {  	[tilespmem:s20], [sflag:$0x3] =	stream.linear.gather [hbm4b:s7+s1], $0x1F40, $0x38;
	[tilespmem:$0x16198] =	vst v63  }
0xec: {  	_ =	swait.ge [sflag:s17], $0x1F40  }
0xed: {  	[sflag:s17] =	ssyncset.done $0x0  }
0xee: {  	s8 =	sadd.s32 $0x0, s13;
	[sflag:s17] =	ssyncadd.s32 $0xFFFFE0C0  }
0xef: {  	[hbm4b:s8+s3] =	stream.linear.scatter [tilespmem:s19], [sflag:$0x2], $0x1F40, $0x38;
	[tilespmem:$0x16198] =	vst v63  }
0xf0: {  	_ =	swait.ge [sflag:s21], $0x1F40  }
0xf1: {  	[sflag:s21] =	ssyncset.done $0x0  }
0xf2: {  	s9 =	sadd.s32 $0x0, s12;
	[sflag:s21] =	ssyncadd.s32 $0xFFFFE0C0  }
0xf3: {  	[hbm4b:s9+s3] =	stream.linear.scatter [tilespmem:s20], [sflag:$0x4], $0x1F40, $0x38;
	[tilespmem:$0x16198] =	vst v63  }
0xf4: {  	_ =	swait.ge [sflag:s22], $0x1F40  }
0xf5: {  	s10 =	sadd.s32 $0x0, s11;
	[sflag:s22] =	ssyncset.done $0x0  }
0xf6: {  	s31 =	sadd.s32 $0x7D0, s10;
	[sflag:s22] =	ssyncadd.s32 $0xFFFFE0C0  }
0xf7: {  	[tilespmem:s19], [sflag:$0x1] =	stream.linear.gather [hbm4b:s31+s3], $0x1F40, $0x38;
	[tilespmem:$0x16198] =	vst v63  }
0xf8: {  	_ =	swait.ge [sflag:s23], $0x1F40  }
0xf9: {  	[sflag:s23] =	ssyncset.done $0x0  }
0xfa: {  	s6 =	sadd.s32 $0xBB8, s10;
	s1 =	simm.s32 $0x7D0;
	[sflag:s23] =	ssyncadd.s32 $0xFFFFE0C0  }
.LBB2_19:
0xfb: {  	[tilespmem:s20], [sflag:$0x3] =	stream.linear.gather [hbm4b:s6+s3], $0x1F40, $0x38;
	[tilespmem:$0x16198] =	vst v63  }
0xfc: {  	s6 =	smov.u32 s1  }
0xfd: {  	p0 =	sne.s32 s1, $0x3C0F0;
	s1 =	sadd.s32 $0x7D0, s1;
	_ =	swait.ge [sflag:s17], $0x1F40  }
0xfe: {  	[sflag:s17] =	ssyncset.done $0x0  }
0xff: {  	s7 =	sadd.s32 s6, s13;
	[sflag:s17] =	ssyncadd.s32 $0xFFFFE0C0  }
0x100: {  	[hbm4b:s7+s3] =	stream.linear.scatter [tilespmem:s19], [sflag:$0x2], $0x1F40, $0x38;
	[tilespmem:$0x16198] =	vst v63  }
0x101: {  	_ =	swait.ge [sflag:s21], $0x1F40  }
0x102: {  	[sflag:s21] =	ssyncset.done $0x0  }
0x103: {  	s7 =	sadd.s32 s6, s12;
	[sflag:s21] =	ssyncadd.s32 $0xFFFFE0C0  }
0x104: {  	[hbm4b:s7+s3] =	stream.linear.scatter [tilespmem:s20], [sflag:$0x4], $0x1F40, $0x38;
	[tilespmem:$0x16198] =	vst v63  }
0x105: {  	_ =	swait.ge [sflag:s22], $0x1F40  }
0x106: {  	s6 =	sadd.s32 s6, s11;
	[sflag:s22] =	ssyncset.done $0x0  }
.Ltmp13:
0x107: {  	s7 =	sadd.s32 $0x7D0, s6;
	[sflag:s22] =	ssyncadd.s32 $0xFFFFE0C0;
	(pc) =	sbr.rel @p0 .LBB2_19-.Ltmp13, $4  }
0x108: {  	[tilespmem:s19], [sflag:$0x1] =	stream.linear.gather [hbm4b:s7+s3], $0x1F40, $0x38;
	[tilespmem:$0x16198] =	vst v63  }
0x109: {  	_ =	swait.ge [sflag:s23], $0x1F40  }
0x10a: {  	[sflag:s23] =	ssyncset.done $0x0  }
0x10b: {  	s6 =	sadd.s32 $0xBB8, s6;
	[sflag:s23] =	ssyncadd.s32 $0xFFFFE0C0  }
0x10c: {  	[tilespmem:s20], [sflag:$0x3] =	stream.linear.gather [hbm4b:s6+s3], $0x1F40, $0x38;
	[tilespmem:$0x16198] =	vst v63  }
0x10d: {  	_ =	swait.ge [sflag:s17], $0x1F40  }
0x10e: {  	[sflag:s17] =	ssyncset.done $0x0  }
0x10f: {  	s1 =	rddreg [dreg:$0x6];
	[sflag:s17] =	ssyncadd.s32 $0xFFFFE0C0  }
0x110: {  	[hbm4b:s1+s3] =	stream.linear.scatter [tilespmem:s19], [sflag:$0x2], $0x1F40, $0x38;
	[tilespmem:$0x16198] =	vst v63  }
0x111: {  	_ =	swait.ge [sflag:s21], $0x1F40  }
0x112: {  	[sflag:s21] =	ssyncset.done $0x0  }
0x113: {  	s31 =	rddreg [dreg:$0x7];
	[sflag:s21] =	ssyncadd.s32 $0xFFFFE0C0  }
0x114: {  	[hbm4b:s31+s3] =	stream.linear.scatter [tilespmem:s20], [sflag:$0x4], $0x1F40, $0x38;
	[tilespmem:$0x16198] =	vst v63  }
0x115: {  	p0 =	slt.s32 s0, $0x1;
	_ =	swait.ge [sflag:s22], $0x1F40  }
.Ltmp14:
0x116: {  	[sflag:s22] =	ssyncset.done $0x0;
	(pc) =	sbr.rel @p0 .LBB2_24-.Ltmp14, $4  }
0x117: {  	[sflag:s22] =	ssyncadd.s32 $0xFFFFE0C0  }
0x118: {  	_ =	swait.ge [sflag:s23], $0x1F40  }
0x119: {  	[sflag:s23] =	ssyncset.done $0x0  }
0x11a: {  	[sflag:s23] =	ssyncadd.s32 $0xFFFFE0C0  }
0x11b: {  	s31 =	simm.s32 $0x840  }
0x11c: {  	v4 =	vld [tilespmem:s31+$0xFFFFFFC0];
	_ =	sdelay $0x4  }
0x11d: {  	s1 =	simm.s32 $0x4840;
	[tilespmem:$0x14098] =	vst v4  }
0x11e: {  	v4 =	vld [tilespmem:s1+$0xFFFFFFC0];
	_ =	sdelay $0x4  }
0x11f: {  	[tilespmem:$0x14118] =	vst v4  }
0x120: {  	v4 =	vld [tilespmem:s31+$0xFFFFFFD0];
	_ =	sdelay $0x4  }
0x121: {  	[tilespmem:$0x140A8] =	vst v4  }
0x122: {  	v4 =	vld [tilespmem:s1+$0xFFFFFFD0];
	_ =	sdelay $0x4  }
0x123: {  	[tilespmem:$0x14128] =	vst v4  }
0x124: {  	v4 =	vld [tilespmem:s31+$0xFFFFFFE0];
	_ =	sdelay $0x4  }
0x125: {  	[tilespmem:$0x140B8] =	vst v4  }
0x126: {  	v4 =	vld [tilespmem:s1+$0xFFFFFFE0];
	_ =	sdelay $0x4  }
0x127: {  	[tilespmem:$0x14138] =	vst v4  }
0x128: {  	v4 =	vld [tilespmem:s31+$0xFFFFFFF0];
	_ =	sdelay $0x4  }
0x129: {  	[tilespmem:$0x140C8] =	vst v4  }
0x12a: {  	v4 =	vld [tilespmem:s1+$0xFFFFFFF0];
	_ =	sdelay $0x4  }
0x12b: {  	[tilespmem:$0x14148] =	vst v4  }
0x12c: {  	v4 =	vld [tilespmem:s31+$0x0];
	_ =	sdelay $0x4  }
0x12d: {  	[tilespmem:$0x140D8] =	vst v4  }
0x12e: {  	v4 =	vld [tilespmem:s1+$0x0];
	_ =	sdelay $0x4  }
0x12f: {  	[tilespmem:$0x14158] =	vst v4  }
0x130: {  	v4 =	vld [tilespmem:s31+$0x10];
	_ =	sdelay $0x4  }
0x131: {  	[tilespmem:$0x140E8] =	vst v4  }
0x132: {  	v4 =	vld [tilespmem:s1+$0x10];
	_ =	sdelay $0x4  }
0x133: {  	[tilespmem:$0x14168] =	vst v4  }
0x134: {  	v4 =	vld [tilespmem:s31+$0x20];
	_ =	sdelay $0x4  }
0x135: {  	[tilespmem:$0x140F8] =	vst v4  }
0x136: {  	v4 =	vld [tilespmem:s1+$0x20];
	_ =	sdelay $0x4  }
0x137: {  	[tilespmem:$0x14178] =	vst v4  }
0x138: {  	v4 =	vld [tilespmem:s31+$0x30];
	_ =	sdelay $0x4  }
0x139: {  	[tilespmem:$0x14108] =	vst v4  }
0x13a: {  	v4 =	vld [tilespmem:s1+$0x30];
	_ =	sdelay $0x4  }
0x13b: {  	[tilespmem:$0x14188] =	vst v4  }
0x13c: {  	[tilespmem:s26], [sflag:$0x5] =	stream.indirect.gather [hbm4b:s4+s24], $0x40, s25, s24, $0xb8;
	[tilespmem:$0x16198] =	vst v63  }
0x13d: {  	p0 =	sne.s32 s0, $0x1;
	_ =	swait.ge [sflag:s28], $0x2000  }
.Ltmp15:
0x13e: {  	[sflag:s28] =	ssyncset.done $0x0;
	(pc) =	sbr.rel @!p0 .LBB2_23-.Ltmp15, $4  }
0x13f: {  	[sflag:s28] =	ssyncadd.s32 $0xFFFFE000  }
0x140: {  	[hbm4b:s5+s24] =	stream.indirect.scatter [tilespmem:s26], [sflag:$0x5], $0x40, s29, s24, $0xb8;
	[tilespmem:$0x16198] =	vst v63  }
0x141: {  	_ =	swait.ge [sflag:s28], $0x2000  }
0x142: {  	s0 =	sadd.s32 $0xFFFFFFFF, s0;
	[sflag:s28] =	ssyncset.done $0x0  }
.LBB2_22:
0x143: {  	[sflag:s28] =	ssyncadd.s32 $0xFFFFE000;
	s31 =	sadd.s32 $0x80, s31;
	s1 =	sadd.s32 $0x80, s1  }
0x144: {  	p0 =	sne.s32 s0, $0x1;
	s0 =	sadd.s32 $0xFFFFFFFF, s0;
	v4 =	vld [tilespmem:s31+$0xFFFFFFC0];
	_ =	sdelay $0x4  }
0x145: {  	[tilespmem:$0x14098] =	vst v4  }
0x146: {  	v4 =	vld [tilespmem:s1+$0xFFFFFFC0];
	_ =	sdelay $0x4  }
0x147: {  	[tilespmem:$0x14118] =	vst v4  }
0x148: {  	v4 =	vld [tilespmem:s31+$0xFFFFFFD0];
	_ =	sdelay $0x4  }
0x149: {  	[tilespmem:$0x140A8] =	vst v4  }
0x14a: {  	v4 =	vld [tilespmem:s1+$0xFFFFFFD0];
	_ =	sdelay $0x4  }
0x14b: {  	[tilespmem:$0x14128] =	vst v4  }
0x14c: {  	v4 =	vld [tilespmem:s31+$0xFFFFFFE0];
	_ =	sdelay $0x4  }
0x14d: {  	[tilespmem:$0x140B8] =	vst v4  }
0x14e: {  	v4 =	vld [tilespmem:s1+$0xFFFFFFE0];
	_ =	sdelay $0x4  }
0x14f: {  	[tilespmem:$0x14138] =	vst v4  }
0x150: {  	v4 =	vld [tilespmem:s31+$0xFFFFFFF0];
	_ =	sdelay $0x4  }
0x151: {  	[tilespmem:$0x140C8] =	vst v4  }
0x152: {  	v4 =	vld [tilespmem:s1+$0xFFFFFFF0];
	_ =	sdelay $0x4  }
0x153: {  	[tilespmem:$0x14148] =	vst v4  }
0x154: {  	v4 =	vld [tilespmem:s31+$0x0];
	_ =	sdelay $0x4  }
0x155: {  	[tilespmem:$0x140D8] =	vst v4  }
0x156: {  	v4 =	vld [tilespmem:s1+$0x0];
	_ =	sdelay $0x4  }
0x157: {  	[tilespmem:$0x14158] =	vst v4  }
0x158: {  	v4 =	vld [tilespmem:s31+$0x10];
	_ =	sdelay $0x4  }
0x159: {  	[tilespmem:$0x140E8] =	vst v4  }
0x15a: {  	v4 =	vld [tilespmem:s1+$0x10];
	_ =	sdelay $0x4  }
0x15b: {  	[tilespmem:$0x14168] =	vst v4  }
0x15c: {  	v4 =	vld [tilespmem:s31+$0x20];
	_ =	sdelay $0x4  }
0x15d: {  	[tilespmem:$0x140F8] =	vst v4  }
0x15e: {  	v4 =	vld [tilespmem:s1+$0x20];
	_ =	sdelay $0x4  }
0x15f: {  	[tilespmem:$0x14178] =	vst v4  }
0x160: {  	v4 =	vld [tilespmem:s31+$0x30];
	_ =	sdelay $0x4  }
0x161: {  	[tilespmem:$0x14108] =	vst v4  }
0x162: {  	v4 =	vld [tilespmem:s1+$0x30];
	_ =	sdelay $0x4  }
0x163: {  	[tilespmem:$0x14188] =	vst v4  }
0x164: {  	[tilespmem:s26], [sflag:$0x5] =	stream.indirect.gather [hbm4b:s4+s24], $0x40, s25, s24, $0xb8;
	[tilespmem:$0x16198] =	vst v63  }
0x165: {  	_ =	swait.ge [sflag:s28], $0x2000  }
.Ltmp16:
0x166: {  	[sflag:s28] =	ssyncset.done $0x0;
	(pc) =	sbr.rel @p0 .LBB2_22-.Ltmp16, $4  }
0x167: {  	[sflag:s28] =	ssyncadd.s32 $0xFFFFE000  }
0x168: {  	[hbm4b:s5+s24] =	stream.indirect.scatter [tilespmem:s26], [sflag:$0x5], $0x40, s29, s24, $0xb8;
	[tilespmem:$0x16198] =	vst v63  }
0x169: {  	_ =	swait.ge [sflag:s28], $0x2000  }
0x16a: {  	[sflag:s28] =	ssyncset.done $0x0  }
.Ltmp17:
0x16b: {  	_ = 	snop;
	(pc) =	sbr.rel .LBB2_23-.Ltmp17, $1  }
0x16c: {  	_ =	sdelay $0x3  }
.LBB2_10:
.Ltmp18:
0x16d: {  	(pc) =	sbr.rel .LBB2_14-.Ltmp18, $2  }
0x16e: {  	_ =	sdelay $0x2  }
0x16f: {  	s31 =	simm.s32 $0x0;
	s7 =	simm.s32 $0x0;
	s6 =	simm.s32 $0x4800;
	vm15 =	vcmask $0x3734  }
.LBB2_12:
.Ltmp19:
0x170: {  	(pc) =	sbr.rel .LBB2_14-.Ltmp19, $2  }
0x171: {  	_ =	sdelay $0x2  }
0x172: {  	s31 =	simm.s32 $0x0;
	s7 =	simm.s32 $0x0;
	s6 =	simm.s32 $0x4800  }
.LBB2_25:
0x173: {  	_ =	sfence.sel $0x180000  }
0x174: {  	[bflag:$0x0] =	sbarrier.arrive $0xFFFF  }
0x175: {  	_ =	strace $0x9000004A  }
0x176: {  	s0 =	stileid.u32;
	[bflag:$0x2] =	sbarrier.arrive $0xFFFF  }
0x177: {  	p0 =	sne.s32 s0, $0x0;
	s0 =	rddreg [dreg:$0x3]  }
0x178: {  	s0 =	sadd.s32 @!p0 $0x100000, s0  }
0x179: {  	[sflag:s0] =	ssyncadd.tile.s32 @!p0 $0x1;
	_ =	shalt  }
.Lfunc_end2:
_tile_overlayer_lowered:
.L_overlay_start_2:
0x17a: {  	(tag) =	ssettag $0x2  }
0x17b: {  	s0 =	rddreg [dreg:$0x0];
	s2 =	stileid.u32  }
0x17c: {  	s1 =	rddreg [dreg:$0x1];
	p0 =	sne.s32 s2, $0x0  }
0x17d: {  	s3 =	rddreg [dreg:$0x2];
	[bflag:$0x3] =	sbarrier.arrive $0xFFFF;
	s2 =	simm.s32 @!p0 $0x1C06  }
0x17e: {  	[timem:s3], [sflag:s2] =	dma.local @!p0 [hbm:s0], s1  }
0x17f: {  	s0 =	simm.s32 @!p0 $0x6  }
0x180: {  	_ =	swait.ge @!p0 [sflag:s0], s1  }
0x181: {  	s1 =	ssub.s32 @!p0 $0x0, s1;
	[sflag:s0] =	ssyncset.done @!p0 $0x0  }
0x182: {  	[sflag:s0] =	ssyncadd.s32 @!p0 s1  }
0x183: {  	[bflag:$0x3] =	sbarrier.arrive $0xFFFF  }
0x184: {  	_ =	shalt  }

// kernel: sparse-core-data-format-call.cloned.1.call-start
scs
called_computation_lowered:
.L_overlay_start_0:
0x0: {  	s2 =	sld [smem:$0x3FD9]  }
0x1: {  	s3 =	sld [smem:$0x3FFE];
	_ =	sdelay $0x1  }
0x2: {  	s1 =	srdreg.scid  }
0x3: {  	s0 =	sand.u32 $0x1, s1  }
0x4: {  	s18 =	sshll.u32 s0, $0xA;
	s2 =	sadd.s32 s3, s2  }
0x5: {  	s2 =	sadd.s32 s2, s18  }
0x6: {  	[smem:$0x3FC1] =	sst s2  }
0x7: {  	_ = 	snop  }
0x8: {  	s2 =	sld [smem:$0x3FD0];
	(tm) =	ssettm $0x1  }
0x9: {  	s19 =	sld [smem:$0x3FFB];
	_ =	sdelay $0x3  }
0xa: {  	_ =	strace s19  }
0xb: {  	s3 =	sld [smem:$0x3FFC];
	_ =	sdelay $0x3  }
0xc: {  	_ =	strace s3  }
0xd: {  	s3 =	sld [smem:$0x3FFD];
	_ =	sdelay $0x3  }
0xe: {  	_ =	strace s3  }
0xf: {  	_ =	strace $0x8FFFFFFF  }
0x10: {  	s20 =	sld [smem:$0x3FDB];
	_ =	sdelay $0x1  }
0x11: {  	s4 =	simm.s32 $_scs_section_size  }
0x12: {  	s5 =	simm.s32 $_size__tile_overlayer_lowered;
	s6 =	simm.s32 $_tile_overlayer_lowered  }
0x13: {  	s23 =	simm.s32 $0x1BFF;
	s22 =	sshll.u32 s6, $0x1;
	s3 =	sadd.s32 s4, s20  }
0x14: {  	s7 =	simm.s32 $0x0;
	s21 =	sshll.u32 s5, $0x1;
	s5 =	sadd.s32 s22, s3  }
0x15: {  	[timem:s7], [sflag:s23] =	dma.local [hbm:s5], s21  }
0x16: {  	_ =	swait.ge [sflag:s23], s21  }
0x17: {  	s4 =	ssub.s32 $0x0, s21;
	[sflag:s23] =	ssyncset.done $0x0  }
0x18: {  	[sflag:s23] =	ssyncadd.s32 s4;
	_ =	sdelay $0x1  }
0x19: {  	s24 =	simm.s32 $0x1B8B  }
0x1a: {  	_ =	swait.ge [sflag:s24], $0x1  }
0x1b: {  	[sflag:s24] =	ssyncset.done $0x0  }
0x1c: {  	s26 =	simm.s32 $0x1B8E;
	s25 =	sld [smem:$0x3FFE];
	[sflag:s24] =	ssyncadd.s32 $0xFFFFFFFF  }
0x1d: {  	s27 =	simm.s32 $execute0_lowered;
	[smem:$0x3FD2] =	sst s26  }
0x1e: {  	s5 =	sshll.u32 s27, $0x1;
	_ =	strace $0x8000004C;
	[dreg:$0x1] =	wrdreg $0xFFFFFFFF  }
0x1f: {  	s28 =	simm.s32 $_size_execute0_lowered;
	s3 =	sadd.s32 s3, s5;
	[dreg:$0x0] =	wrdreg $0x0  }
0x20: {  	s5 =	sshll.u32 s28, $0x1;
	[dreg:$0x2] =	wrdreg s3  }
0x21: {  	[dreg:$0x3] =	wrdreg s5  }
0x22: {  	[dreg:$0x4] =	wrdreg $0xC0  }
0x23: {  	_ =	task [dreg:s7], $0x5FFFF  }
0x24: {  	[dreg:$0x1] =	wrdreg $0xFFFFFFFF  }
0x25: {  	[dreg:$0x0] =	wrdreg $0x60  }
0x26: {  	[dreg:$0x2] =	wrdreg s25  }
0x27: {  	[dreg:$0x3] =	wrdreg s2  }
0x28: {  	[dreg:$0x4] =	wrdreg $0x9  }
0x29: {  	_ =	task.clear_ibuf [dreg:s7], $0x5FFFF;
	_ =	strace $0x9000004C  }
0x2a: {  	s29 =	simm.s32 $0x9;
	_ =	strace $0x8000004E  }
0x2b: {  	_ =	swait.ge [sflag:s29], $0x1  }
0x2c: {  	[sflag:s29] =	ssyncadd.s32 $0xFFFFFFFF  }
0x2d: {  	_ =	strace $0x9000004E  }
0x2e: {  	_ =	sfence  }
0x2f: {  	s30 =	sld [smem:$0x0];
	_ =	sdelay $0x2  }
0x30: {  	s31 =	sshll.u32 s1, $0xD;
	s1 =	sshrl.u32 s1, $0x2  }
0x31: {  	s3 =	sand.u32 $0x4000, s31;
	s1 =	sadd.s32 s1, s30  }
0x32: {  	s0 =	sor.u32 s3, s0;
	s1 =	sshll.u32 s1, $0x11  }
0x33: {  	s0 =	sor.u32 s1, s0  }
0x34: {  	s0 =	sadd.s32 $0x8F2B, s0  }
0x35: {  	[sflag:s0] =	ssyncadd.remote.s32 $0x1  }
0x36: {  	_ =	sfence.sel $0xFFFF  }
0x37: {  	[dreg:$0x0] =	wrdreg $0xFFFFFFFF;
	(pc) =	sbr.abs _section_cstart, $3  }
0x38: {  	[dreg:$0x1] =	wrdreg $0xFFFFFFFF  }
0x39: {  	_ =	task.clear_ibuf [dreg:s7], $0x2FFFF;
	_ =	strace $0x9FFFFFFF  }
0x3a: {  	(tm) =	ssettm $0x7FFFFFFF  }
0x3b: {  	_ =	shalt  }
tec
execute0_lowered:
.L_overlay_start_1:
0x0: {  	(tag) =	ssettag $0x1  }
0x1: {  	s4 =	rddreg [dreg:$0x0]  }
0x2: {  	s0 =	srdreg.scid;
	s2 =	rddreg [dreg:$0x1]  }
0x3: {  	s1 =	stileid.u32;
	s5 =	simm.s32 $0x1;
	s0 =	sshll.u32 s0, $0x4  }
0x4: {  	s7 =	simm.s32 $0x2;
	s11 =	simm.s32 $0x0;
	s3 =	sand.u32 $0x10, s0  }
.Ltmp0:
0x5: {  	p0 =	por $0x0, $0x0;
	s3 =	sor.u32 s1, s3;
	(pc) =	sbr.rel .LBB1_1-.Ltmp0, $4  }
0x6: {  	s8 =	simm.s32 $0x7A1400;
	s10 =	simm.s32 $0x0;
	s3 =	sshll.u32 s3, $0x7  }
0x7: {  	s0 =	rddreg [dreg:$0x2];
	_ =	strace $0x8000004D;
	s6 =	ssub.s32 $0xF4200, s3  }
0x8: {  	s4 =	sadd.s32 $0x7C2800, s4;
	[sflag:s5] =	ssyncpa.u1 $0x0;
	s6 =	sshrl.u32 s6, $0xC  }
0x9: {  	[sflag:s7] =	ssyncpa.u1 $0x0;
	s9 =	smov.u32 s3;
	s7 =	sadd.s32 $0x2, s6  }
.LBB1_5:
0xa: {  	s13 =	sadd.s32 $0x1000, s9  }
0xb: {  	p2 =	sgt.s32 s13, $0xF423F  }
0xc: {  	s13 =	smov.u32 @p2 s3;
	p2 =	sne.s32 s10, s7  }
.Ltmp1:
0xd: {  	p1 =	slt.u32 s10, $0x2;
	(pc) =	sbr.rel @!p2 .LBB1_6-.Ltmp1, $4  }
0xe: {  	s12 =	simm.s32 @!p1 $0x2  }
0xf: {  	s14 =	sadd.s32 $0x1, s10;
	_ =	swait.ge @!p1 [sflag:s12], $0x2000  }
0x10: {  	s11 =	smov.u32 s9;
	p0 =	por !p0, !p0;
	[sflag:s12] =	ssyncset.done @!p1 $0x0  }
0x11: {  	s10 =	smov.u32 s14;
	s9 =	smov.u32 s13;
	[sflag:s12] =	ssyncadd.s32 @!p1 $0xFFFFE000  }
.LBB1_1:
0x12: {  	p1 =	sgt.u32 s10, s6  }
0x13: {  	s13 =	smov.u32 s9;
	p2 =	sgt.s32 @!p1 s9, $0xF41C0  }
0x14: {  	s12 =	sand.u32 @!p1 $0x1FFFFFF, s9;
	s14 =	sshra.s32 @!p1 s9, $0x1F;
	p2 =	por !p2, p1  }
0x15: {  	s15 =	smulhi.u32 @!p1 $0x218DEF5, s12;
	s14 =	sand.u32 @!p1 s14, s9;
	s13 =	simm.s32 @p2 $0xF41C0  }
0x16: {  	s13 =	ssub.s32 @!p1 s13, s14  }
0x17: {  	s14 =	sshrl.u32 @!p1 s15, $0xD;
	s13 =	sadd.s32 @!p1 $0xFFF0BE40, s13  }
0x18: {  	s15 =	sxor.u32 @!p1 $0xFFFFFFFF, s10;
	s14 =	smul.u32 @!p1 $0xF4240, s14;
	s16 =	sshll.u32 @!p1 s13, $0x8  }
0x19: {  	s15 =	sshll.u32 @!p1 s15, $0xD;
	p2 =	sgt.s32 @!p1 s13, $0x7F;
	s13 =	ssub.s32 @!p1 $0x8000, s16  }
0x1a: {  	s12 =	ssub.s32 @!p1 s12, s14;
	p2 =	por !p2, p1;
	s14 =	sand.u32 @!p1 $0x2000, s15  }
0x1b: {  	s15 =	simm.s32 @!p1 $0x40;
	s13 =	sshrl.u32 @!p1 s13, $0x2;
	s12 =	sshll.u32 @!p1 s12, $0x4  }
0x1c: {  	s16 =	simm.s32 @!p1 $0x80;
	s13 =	simm.s32 @!p2 $0x0;
	s12 =	sadd.s32 @!p1 s4, s12  }
0x1d: {  	[tilespmem:s14], [sflag:$0x1] =	stream.strided.gather @!p1 [hbm4b:s12+s15], s13, s16, s15, $0x38;
	[tilespmem:$0x8080] =	vst v63  }
0x1e: {  	p1 =	seq.s32 s10, $0x0  }
0x1f: {  	p2 =	sge.u32 @!p1 s10, s7  }
0x20: {  	p1 =	por p1, p2  }
.Ltmp2:
0x21: {  	_ = 	snop;
	(pc) =	sbr.rel @p1 .LBB1_5-.Ltmp2, $1  }
0x22: {  	_ =	sdelay $0x3  }
0x23: {  	p1 =	sgt.s32 s11, $0xF41C0;
	s12 =	smov.u32 s11;
	s13 =	sshra.s32 s11, $0x1F  }
0x24: {  	s12 =	simm.s32 @!p1 $0xF41C0;
	s13 =	sand.u32 s13, s11  }
0x25: {  	s12 =	ssub.s32 s12, s13  }
0x26: {  	s12 =	sadd.s32 $0xFFF0BE40, s12  }
0x27: {  	s28 =	sshll.u32 s12, $0x8  }
0x28: {  	s13 =	ssub.s32 $0x8000, s28  }
0x29: {  	p1 =	sgt.s32 s12, $0x7F;
	s12 =	sshrl.u32 s13, $0x2  }
0x2a: {  	s13 =	simm.s32 $0x1;
	s12 =	simm.s32 @p1 $0x0  }
0x2b: {  	s13 =	simm.s32 @!p0 $0x0;
	_ =	swait.ge [sflag:s5], s12  }
0x2c: {  	s14 =	sshll.u32 s13, $0xD;
	s12 =	ssub.s32 $0x0, s12;
	[sflag:s5] =	ssyncset.done $0x0  }
0x2d: {  	s16 =	sor.u32 $0x20, s14;
	[sflag:s5] =	ssyncadd.s32 s12  }
0x2e: {  	s29 =	smul.u32 $0x8100, s13;
	v3 =	vld [tilespmem:s16+$0x10]  }
0x2f: {  	s30 =	sand.u32 $0x1, s10;
	v2 =	vld [tilespmem:s16+$0xFFFFFFF0]  }
0x30: {  	s13 =	smul.u32 $0x8100, s30;
	s12 =	sshrl.u32 s29, $0x2;
	v0 =	vld [tilespmem:s16+$0x0]  }
0x31: {  	s14 =	sor.u32 $0x4000, s12;
	v1 =	vld [tilespmem:s16+$0xFFFFFFE0]  }
0x32: {  	s31 =	sshrl.u32 s13, $0x2;
	s13 =	sadd.s32 $0x0, s14  }
0x33: {  	s15 =	simm.s32 $0x4;
	s12 =	sor.u32 $0x4000, s31;
	s16 =	sadd.s32 $0x40, s16;
	[tilespmem:s13+$0x1830 ss:$0x81] =	vst.msk $0xffff, v3  }
.LBB1_3:
0x34: {  	v3 =	vld [tilespmem:s16+$0x10];
	p1 =	sne.s32 s15, $0x1FC;
	[tilespmem:s13+$0x810 ss:$0x81] =	vst.msk $0xffff, v2;
	s17 =	smov.u32 s15;
	s15 =	sadd.s32 $0x4, s15  }
.Ltmp3:
0x35: {  	v2 =	vld [tilespmem:s16+$0xFFFFFFF0];
	[tilespmem:s13+$0x1020 ss:$0x81] =	vst.msk $0xffff, v0;
	(pc) =	sbr.rel @p1 .LBB1_3-.Ltmp3, $4  }
0x36: {  	v0 =	vld [tilespmem:s16+$0x0];
	[tilespmem:s13+$0x0 ss:$0x81] =	vst.msk $0xffff, v1  }
0x37: {  	s13 =	sshra.s32 s17, $0x2;
	v1 =	vld [tilespmem:s16+$0xFFFFFFE0]  }
0x38: {  	s13 =	sadd.s32 s13, s14  }
0x39: {  	s16 =	sadd.s32 $0x40, s16;
	[tilespmem:s13+$0x1830 ss:$0x81] =	vst.msk $0xffff, v3  }
0x3a: {  	s14 =	sshll.u32 s11, $0x3  }
0x3b: {  	s30 =	sand.u32 $0x7F, s11;
	s14 =	sand.u32 $0xFFFFFC00, s14  }
0x3c: {  	s11 =	sor.u32 s30, s14  }
0x3d: {  	s15 =	smulhi.u32 $0x218D6287, s11;
	_ =	sdelay $0x1  }
0x3e: {  	s14 =	smulhi.u32 $0x218D6287, s14;
	s15 =	sshrl.u32 s15, $0x11  }
0x3f: {  	s15 =	smul.u32 $0xF4280, s15  }
0x40: {  	s14 =	sshrl.u32 s14, $0x11  }
.Ltmp4:
0x41: {  	s14 =	sand.u32 $0x3F, s14;
	s11 =	ssub.s32 s11, s15;
	(pc) =	sbr.rel .LBB1_5-.Ltmp4, $4  }
0x42: {  	[tilespmem:s13+$0x810 ss:$0x81] =	vst.msk $0xffff, v2;
	s14 =	smul.u32 $0x1E850, s14;
	s15 =	sshrl.u32 s11, $0x3;
	s11 =	sand.u32 $0x7, s11  }
0x43: {  	[tilespmem:s13+$0x1020 ss:$0x81] =	vst.msk $0xffff, v0;
	s15 =	sadd.s32 s2, s15;
	s11 =	sshll.u32 s11, $0x12  }
0x44: {  	[tilespmem:s13+$0x0 ss:$0x81] =	vst.msk $0xffff, v1;
	s31 =	sadd.s32 s14, s15;
	s11 =	sor.u32 $0x400, s11  }
0x45: {  	[hbm4b:s31+s11] =	stream.strided.scatter [tilespmem:s12], [sflag:$0x2], $0x2000, s8, s11, $0x20;
	[tilespmem:$0x8080] =	vst v63  }
.LBB1_6:
0x46: {  	_ =	sfence.sel $0x180000  }
0x47: {  	s2 =	simm.s32 $0x1;
	[bflag:$0x0] =	sbarrier.arrive $0xFFFF  }
0x48: {  	s31 =	simm.s32 $0x2;
	[sflag:s2] =	ssyncpa.u1 $0x1  }
0x49: {  	[sflag:s31] =	ssyncpa.u1 $0x1  }
0x4a: {  	p0 =	sne.s32 s1, $0x0;
	_ =	strace $0x9000004D  }
0x4b: {  	s0 =	sadd.s32 @!p0 $0x100000, s0;
	[bflag:$0x2] =	sbarrier.arrive $0xFFFF  }
0x4c: {  	[sflag:s0] =	ssyncadd.tile.s32 @!p0 $0x1;
	_ =	shalt  }
.Lfunc_end1:
_tile_overlayer_lowered:
.L_overlay_start_2:
0x4d: {  	(tag) =	ssettag $0x2  }
0x4e: {  	s0 =	rddreg [dreg:$0x0];
	s2 =	stileid.u32  }
0x4f: {  	s1 =	rddreg [dreg:$0x1];
	p0 =	sne.s32 s2, $0x0  }
0x50: {  	s3 =	rddreg [dreg:$0x2];
	[bflag:$0x3] =	sbarrier.arrive $0xFFFF;
	s2 =	simm.s32 @!p0 $0x1C01  }
0x51: {  	[timem:s3], [sflag:s2] =	dma.local @!p0 [hbm:s0], s1  }
0x52: {  	s0 =	simm.s32 @!p0 $0x1  }
0x53: {  	_ =	swait.ge @!p0 [sflag:s0], s1  }
0x54: {  	s1 =	ssub.s32 @!p0 $0x0, s1;
	[sflag:s0] =	ssyncset.done @!p0 $0x0  }
0x55: {  	[sflag:s0] =	ssyncadd.s32 @!p0 s1  }
0x56: {  	[bflag:$0x3] =	sbarrier.arrive $0xFFFF  }
0x57: {  	_ =	shalt  }

</sc_bundles>
